<compile_context>
chip_gen: v7x
topology: tpu7x:2x2x1
jax: 0.10.2.dev20260603
libtpu: 0.0.44.dev20260713+nightly
codegen_flags: <defaults>
</compile_context>

<pallas_src>
import functools

import jax
import jax.numpy as jnp
from jax import lax
from jax.experimental import pallas as pl
from jax.experimental.pallas import tpu as pltpu
from jax.experimental.pallas import tpu_sc as plsc

NUM_WORKERS = 32
LANES = 16
UNROLL = 8
NBUF = 8
BLK = 65536


def _project_kernel(wbd_ref, tt_ref, o_ref):
    b8 = BLK // 8
    a = jnp.concatenate(
        [
            jnp.transpose(tt_ref[:, k * b8:(k + 1) * b8]).astype(jnp.bfloat16)
            for k in range(8)
        ],
        axis=1,
    )
    o_ref[...] = jnp.dot(a, wbd_ref[...],
                         preferred_element_type=jnp.float32)


def _project(tt, wbd, seq_len):
    k, v = tt.shape
    grid = (v + BLK - 1) // BLK
    return pl.pallas_call(
        _project_kernel,
        grid=(grid,),
        in_specs=[
            pl.BlockSpec((8 * k, 8 * LANES), lambda i: (0, 0)),
            pl.BlockSpec((k, BLK), lambda i: (0, i)),
        ],
        out_specs=pl.BlockSpec((BLK // 8, 8 * LANES), lambda i: (i, 0)),
        out_shape=jax.ShapeDtypeStruct((grid * (BLK // 8), 8 * LANES),
                                       jnp.float32),
        compiler_params=pltpu.CompilerParams(
            vmem_limit_bytes=100 * 1024 * 1024,
        ),
    )(wbd, tt)


def _gather_logits_kernel(batch, seq_len):
    ex_per_w = batch // NUM_WORKERS

    mesh = plsc.VectorSubcoreMesh(core_axis_name="c", subcore_axis_name="s")

    @functools.partial(
        pl.kernel,
        out_type=jax.ShapeDtypeStruct((batch, LANES), jnp.float32),
        mesh=mesh,
        scratch_types=[
            pltpu.VMEM((ex_per_w, seq_len), jnp.int32),
            [pltpu.VMEM((seq_len, LANES), jnp.float32) for _ in range(NBUF)],
            pltpu.VMEM((ex_per_w, LANES), jnp.float32),
            pltpu.VMEM((LANES,), jnp.float32),
            [pltpu.SemaphoreType.DMA for _ in range(NBUF)],
        ],
        compiler_params=pltpu.CompilerParams(use_tc_tiling_on_sc=False),
    )
    def body(ids_hbm, tp_hbm, b_hbm, out_hbm, idx_v, rows, acc_v, b_v, sems):
        wid = lax.axis_index("s") * 2 + lax.axis_index("c")
        base = wid * ex_per_w
        pltpu.sync_copy(ids_hbm.at[pl.ds(base, ex_per_w)], idx_v)
        pltpu.sync_copy(b_hbm, b_v)

        def start(e, b):
            pltpu.async_copy(tp_hbm.at[idx_v.at[e]], rows[b], sems[b])

        def reduce_rows(r):
            def tbody(t, c):
                tb = t * UNROLL
                for k in range(UNROLL):
                    c = c + r[tb + k, :]
                return c

            zero = jnp.zeros((LANES,), jnp.float32)
            return lax.fori_loop(0, seq_len // UNROLL, tbody, zero)

        for b in range(NBUF):
            start(b, b)

        bias = b_v[:]

        def gbody(g, carry):
            e0 = g * NBUF
            for b in range(NBUF):
                e = e0 + b
                pltpu.make_async_copy(
                    tp_hbm.at[pl.ds(0, seq_len)], rows[b], sems[b]
                ).wait()
                acc_v[e, :] = reduce_rows(rows[b]) + bias

                @pl.when(e + NBUF < ex_per_w)
                def _():
                    start(e + NBUF, b)

            return carry

        lax.fori_loop(0, ex_per_w // NBUF, gbody, 0)
        pltpu.sync_copy(acc_v, out_hbm.at[pl.ds(base, ex_per_w)])

    return body


def kernel(subword_ids, table, W, b):
    batch, seq_len = subword_ids.shape
    embed_dim = table.shape[1]
    num_classes = W.shape[1]

    tt = table.T
    b_pad = jnp.pad(b, (0, LANES - num_classes))
    w16 = jnp.pad(W, ((0, 0), (0, LANES - num_classes))) / seq_len
    wbd = (
        jnp.eye(8, dtype=jnp.float32)[:, None, :, None]
        * w16[None, :, None, :]
    ).reshape(8 * embed_dim, 8 * LANES).astype(jnp.bfloat16)

    packed = _project(tt, wbd, seq_len)
    proj = packed.reshape(-1, LANES)

    t = subword_ids & (BLK - 1)
    ids_rho = (subword_ids - t) + ((t & (BLK // 8 - 1)) << 3) + (t >> 13)

    logits_pad = _gather_logits_kernel(batch, seq_len)(
        ids_rho, proj, b_pad
    )
    return logits_pad[:, :num_classes]

# --- scband reference (transcript-rebuilt; emitter-appended) ---
"""Pipeline reference for scband-fasttext-classifier-vec-avg-32152125178137 (READ-ONLY COPY).

The authoritative reference and input builder live on the scoring server;
editing this copy changes nothing except your own understanding.
"""

import jax, jax.numpy as jnp
import numpy as np

NUM_EMBEDDINGS = 1000000
EMBED_DIM = 64
NUM_CLASSES = 3
BATCH = 4096
SEQ_LEN = 200


def setup_inputs(seed: int = 0) -> dict:
    key = jax.random.key(seed)
    k1, k2, k3 = jax.random.split(key, 3)
    subword_ids = jax.random.randint(k1, (BATCH, SEQ_LEN), 0, NUM_EMBEDDINGS, dtype=jnp.int32)
    # frozen pretrained fasttext input matrix
    table = jax.random.normal(k2, (NUM_EMBEDDINGS, EMBED_DIM), dtype=jnp.float32) * 0.02
    W = jax.random.normal(k3, (EMBED_DIM, NUM_CLASSES), dtype=jnp.float32) * 0.05
    b = jnp.zeros((NUM_CLASSES,), dtype=jnp.float32)
    return {"subword_ids": subword_ids, "table": table, "W": W, "b": b}


def reference(subword_ids, table, W, b):
    # embedding lookup: gather rows of the pretrained fasttext matrix
    emb = jnp.take(table, subword_ids, axis=0)          # [B, L, D]
    # fasttext vec-avg: mean over subword tokens per example
    seq = jnp.mean(emb, axis=1)                          # [B, D]
    # linear classifier
    logits = seq @ W + b                                 # [B, NUM_CLASSES]
    return logits

if __name__ == "__main__":
    import jax
    _d = setup_inputs()
    print(jax.jit(kernel)(*tuple(_d.values())))

</pallas_src>

<mosaic_0001>
#map = affine_map<(d0, d1) -> (0, 0)>
#map1 = affine_map<(d0, d1) -> (0)>
module attributes {stable_mosaic.version = 14 : i64} {
  func.func @body(%arg0: i32, %arg1: i32, %arg2: memref<4096x200xi32, #tpu.memory_space<hbm>>, %arg3: memref<1048576x16xf32, #tpu.memory_space<hbm>>, %arg4: memref<16xf32, #tpu.memory_space<hbm>>, %arg5: memref<4096x16xf32, #tpu.memory_space<hbm>>, %arg6: memref<128x200xi32, #tpu.memory_space<vmem>>, %arg7: memref<200x16xf32, #tpu.memory_space<vmem>>, %arg8: memref<200x16xf32, #tpu.memory_space<vmem>>, %arg9: memref<200x16xf32, #tpu.memory_space<vmem>>, %arg10: memref<200x16xf32, #tpu.memory_space<vmem>>, %arg11: memref<200x16xf32, #tpu.memory_space<vmem>>, %arg12: memref<200x16xf32, #tpu.memory_space<vmem>>, %arg13: memref<200x16xf32, #tpu.memory_space<vmem>>, %arg14: memref<200x16xf32, #tpu.memory_space<vmem>>, %arg15: memref<128x16xf32, #tpu.memory_space<vmem>>, %arg16: memref<16xf32, #tpu.memory_space<vmem>>, %arg17: memref<!tpu.dma_semaphore, #tpu.memory_space<semaphore_mem>>, %arg18: memref<!tpu.dma_semaphore, #tpu.memory_space<semaphore_mem>>, %arg19: memref<!tpu.dma_semaphore, #tpu.memory_space<semaphore_mem>>, %arg20: memref<!tpu.dma_semaphore, #tpu.memory_space<semaphore_mem>>, %arg21: memref<!tpu.dma_semaphore, #tpu.memory_space<semaphore_mem>>, %arg22: memref<!tpu.dma_semaphore, #tpu.memory_space<semaphore_mem>>, %arg23: memref<!tpu.dma_semaphore, #tpu.memory_space<semaphore_mem>>, %arg24: memref<!tpu.dma_semaphore, #tpu.memory_space<semaphore_mem>>) attributes {dimension_semantics = [#tpu.dimension_semantics<core_parallel>, #tpu.dimension_semantics<subcore_parallel>], iteration_bounds = array<i64: 2, 16>, scalar_prefetch = 0 : i64, scratch_operands = 19 : i64, tpu.core_type = #tpu.core_type<sc_vector_subcore>, window_params = [{transform_indices = #map}, {transform_indices = #map}, {transform_indices = #map1}, {transform_indices = #map}]} {
    %mul3A = arith.constant 2 : i32
    %mul3A_0 = arith.muli %arg1, %mul3A : i32
    %add3A = arith.addi %mul3A_0, %arg0 : i32
    %mul3A_1 = arith.constant 128 : i32
    %mul3A_2 = arith.muli %add3A, %mul3A_1 : i32
    "tpu.region"() ({
      %run_scoped3A = tpu.sem_alloc : memref<!tpu.dma_semaphore, #tpu.memory_space<semaphore_mem>>
      %dma_start3A_65 = arith.constant 0 : i32
      %dma_start3A_66 = tpu.memref_slice %arg2[%mul3A_2, %dma_start3A_65] : memref<4096x200xi32, #tpu.memory_space<hbm>> -> memref<128x200xi32, #tpu.memory_space<hbm>>
      %dma_start3A_67 = arith.constant 0 : i32
      %dma_start3A_68 = tpu.memref_slice %arg2[%mul3A_2, %dma_start3A_67] : memref<4096x200xi32, #tpu.memory_space<hbm>> -> memref<128x200xi32, #tpu.memory_space<hbm>>
      tpu.enqueue_dma source(%dma_start3A_68 : memref<128x200xi32, #tpu.memory_space<hbm>>) target(%arg6 : memref<128x200xi32, #tpu.memory_space<vmem>>) target_semaphore(%run_scoped3A : memref<!tpu.dma_semaphore, #tpu.memory_space<semaphore_mem>>)
      %dma_wait3A = arith.constant 0 : i32
      %dma_wait3A_69 = tpu.memref_slice %arg2[%mul3A_2, %dma_wait3A] : memref<4096x200xi32, #tpu.memory_space<hbm>> -> memref<128x200xi32, #tpu.memory_space<hbm>>
      %dma_wait3A_70 = arith.constant 0 : i32
      %dma_wait3A_71 = tpu.memref_slice %arg2[%mul3A_2, %dma_wait3A_70] : memref<4096x200xi32, #tpu.memory_space<hbm>> -> memref<128x200xi32, #tpu.memory_space<hbm>>
      tpu.wait_dma2 semaphore(%run_scoped3A : memref<!tpu.dma_semaphore, #tpu.memory_space<semaphore_mem>>) src(%dma_wait3A_71 : memref<128x200xi32, #tpu.memory_space<hbm>>) dst(%arg6 : memref<128x200xi32, #tpu.memory_space<vmem>>)
      tpu.yield
    }) : () -> ()
    "tpu.region"() ({
      %run_scoped3A = tpu.sem_alloc : memref<!tpu.dma_semaphore, #tpu.memory_space<semaphore_mem>>
      tpu.enqueue_dma source(%arg4 : memref<16xf32, #tpu.memory_space<hbm>>) target(%arg16 : memref<16xf32, #tpu.memory_space<vmem>>) target_semaphore(%run_scoped3A : memref<!tpu.dma_semaphore, #tpu.memory_space<semaphore_mem>>)
      tpu.wait_dma2 semaphore(%run_scoped3A : memref<!tpu.dma_semaphore, #tpu.memory_space<semaphore_mem>>) src(%arg4 : memref<16xf32, #tpu.memory_space<hbm>>) dst(%arg16 : memref<16xf32, #tpu.memory_space<vmem>>)
      tpu.yield
    }) : () -> ()
    %dma_start3A = arith.constant 0 : i32
    %dma_start3A_3 = arith.constant 0 : i32
    %dma_start3A_4 = tpu.memref_slice %arg6[%dma_start3A, %dma_start3A_3] : memref<128x200xi32, #tpu.memory_space<vmem>> -> memref<1x200xi32, #tpu.memory_space<vmem>>
    %dma_start3A_5 = tpu.memref_squeeze %dma_start3A_4 : memref<1x200xi32, #tpu.memory_space<vmem>> -> memref<200xi32, #tpu.memory_space<vmem>>
    %dma_start3A_6 = arith.constant 0 : i32
    %dma_start3A_7 = arith.constant 0 : i32
    %dma_start3A_8 = tpu.memref_slice %arg3[%dma_start3A_6, %dma_start3A_7] : memref<1048576x16xf32, #tpu.memory_space<hbm>> -> memref<1048576x16xf32, #tpu.memory_space<hbm>>
    tpu.enqueue_indirect_dma source(%dma_start3A_8 : memref<1048576x16xf32, #tpu.memory_space<hbm>>) target(%arg7 : memref<200x16xf32, #tpu.memory_space<vmem>>) offsets(%dma_start3A_5 : memref<200xi32, #tpu.memory_space<vmem>>) semaphore(%arg17 : memref<!tpu.dma_semaphore, #tpu.memory_space<semaphore_mem>>)
    %dma_start3A_9 = arith.constant 1 : i32
    %dma_start3A_10 = arith.constant 0 : i32
    %dma_start3A_11 = tpu.memref_slice %arg6[%dma_start3A_9, %dma_start3A_10] : memref<128x200xi32, #tpu.memory_space<vmem>> -> memref<1x200xi32, #tpu.memory_space<vmem>>
    %dma_start3A_12 = tpu.memref_squeeze %dma_start3A_11 : memref<1x200xi32, #tpu.memory_space<vmem>> -> memref<200xi32, #tpu.memory_space<vmem>>
    %dma_start3A_13 = arith.constant 0 : i32
    %dma_start3A_14 = arith.constant 0 : i32
    %dma_start3A_15 = tpu.memref_slice %arg3[%dma_start3A_13, %dma_start3A_14] : memref<1048576x16xf32, #tpu.memory_space<hbm>> -> memref<1048576x16xf32, #tpu.memory_space<hbm>>
    tpu.enqueue_indirect_dma source(%dma_start3A_15 : memref<1048576x16xf32, #tpu.memory_space<hbm>>) target(%arg8 : memref<200x16xf32, #tpu.memory_space<vmem>>) offsets(%dma_start3A_12 : memref<200xi32, #tpu.memory_space<vmem>>) semaphore(%arg18 : memref<!tpu.dma_semaphore, #tpu.memory_space<semaphore_mem>>)
    %dma_start3A_16 = arith.constant 2 : i32
    %dma_start3A_17 = arith.constant 0 : i32
    %dma_start3A_18 = tpu.memref_slice %arg6[%dma_start3A_16, %dma_start3A_17] : memref<128x200xi32, #tpu.memory_space<vmem>> -> memref<1x200xi32, #tpu.memory_space<vmem>>
    %dma_start3A_19 = tpu.memref_squeeze %dma_start3A_18 : memref<1x200xi32, #tpu.memory_space<vmem>> -> memref<200xi32, #tpu.memory_space<vmem>>
    %dma_start3A_20 = arith.constant 0 : i32
    %dma_start3A_21 = arith.constant 0 : i32
    %dma_start3A_22 = tpu.memref_slice %arg3[%dma_start3A_20, %dma_start3A_21] : memref<1048576x16xf32, #tpu.memory_space<hbm>> -> memref<1048576x16xf32, #tpu.memory_space<hbm>>
    tpu.enqueue_indirect_dma source(%dma_start3A_22 : memref<1048576x16xf32, #tpu.memory_space<hbm>>) target(%arg9 : memref<200x16xf32, #tpu.memory_space<vmem>>) offsets(%dma_start3A_19 : memref<200xi32, #tpu.memory_space<vmem>>) semaphore(%arg19 : memref<!tpu.dma_semaphore, #tpu.memory_space<semaphore_mem>>)
    %dma_start3A_23 = arith.constant 3 : i32
    %dma_start3A_24 = arith.constant 0 : i32
    %dma_start3A_25 = tpu.memref_slice %arg6[%dma_start3A_23, %dma_start3A_24] : memref<128x200xi32, #tpu.memory_space<vmem>> -> memref<1x200xi32, #tpu.memory_space<vmem>>
    %dma_start3A_26 = tpu.memref_squeeze %dma_start3A_25 : memref<1x200xi32, #tpu.memory_space<vmem>> -> memref<200xi32, #tpu.memory_space<vmem>>
    %dma_start3A_27 = arith.constant 0 : i32
    %dma_start3A_28 = arith.constant 0 : i32
    %dma_start3A_29 = tpu.memref_slice %arg3[%dma_start3A_27, %dma_start3A_28] : memref<1048576x16xf32, #tpu.memory_space<hbm>> -> memref<1048576x16xf32, #tpu.memory_space<hbm>>
    tpu.enqueue_indirect_dma source(%dma_start3A_29 : memref<1048576x16xf32, #tpu.memory_space<hbm>>) target(%arg10 : memref<200x16xf32, #tpu.memory_space<vmem>>) offsets(%dma_start3A_26 : memref<200xi32, #tpu.memory_space<vmem>>) semaphore(%arg20 : memref<!tpu.dma_semaphore, #tpu.memory_space<semaphore_mem>>)
    %dma_start3A_30 = arith.constant 4 : i32
    %dma_start3A_31 = arith.constant 0 : i32
    %dma_start3A_32 = tpu.memref_slice %arg6[%dma_start3A_30, %dma_start3A_31] : memref<128x200xi32, #tpu.memory_space<vmem>> -> memref<1x200xi32, #tpu.memory_space<vmem>>
    %dma_start3A_33 = tpu.memref_squeeze %dma_start3A_32 : memref<1x200xi32, #tpu.memory_space<vmem>> -> memref<200xi32, #tpu.memory_space<vmem>>
    %dma_start3A_34 = arith.constant 0 : i32
    %dma_start3A_35 = arith.constant 0 : i32
    %dma_start3A_36 = tpu.memref_slice %arg3[%dma_start3A_34, %dma_start3A_35] : memref<1048576x16xf32, #tpu.memory_space<hbm>> -> memref<1048576x16xf32, #tpu.memory_space<hbm>>
    tpu.enqueue_indirect_dma source(%dma_start3A_36 : memref<1048576x16xf32, #tpu.memory_space<hbm>>) target(%arg11 : memref<200x16xf32, #tpu.memory_space<vmem>>) offsets(%dma_start3A_33 : memref<200xi32, #tpu.memory_space<vmem>>) semaphore(%arg21 : memref<!tpu.dma_semaphore, #tpu.memory_space<semaphore_mem>>)
    %dma_start3A_37 = arith.constant 5 : i32
    %dma_start3A_38 = arith.constant 0 : i32
    %dma_start3A_39 = tpu.memref_slice %arg6[%dma_start3A_37, %dma_start3A_38] : memref<128x200xi32, #tpu.memory_space<vmem>> -> memref<1x200xi32, #tpu.memory_space<vmem>>
    %dma_start3A_40 = tpu.memref_squeeze %dma_start3A_39 : memref<1x200xi32, #tpu.memory_space<vmem>> -> memref<200xi32, #tpu.memory_space<vmem>>
    %dma_start3A_41 = arith.constant 0 : i32
    %dma_start3A_42 = arith.constant 0 : i32
    %dma_start3A_43 = tpu.memref_slice %arg3[%dma_start3A_41, %dma_start3A_42] : memref<1048576x16xf32, #tpu.memory_space<hbm>> -> memref<1048576x16xf32, #tpu.memory_space<hbm>>
    tpu.enqueue_indirect_dma source(%dma_start3A_43 : memref<1048576x16xf32, #tpu.memory_space<hbm>>) target(%arg12 : memref<200x16xf32, #tpu.memory_space<vmem>>) offsets(%dma_start3A_40 : memref<200xi32, #tpu.memory_space<vmem>>) semaphore(%arg22 : memref<!tpu.dma_semaphore, #tpu.memory_space<semaphore_mem>>)
    %dma_start3A_44 = arith.constant 6 : i32
    %dma_start3A_45 = arith.constant 0 : i32
    %dma_start3A_46 = tpu.memref_slice %arg6[%dma_start3A_44, %dma_start3A_45] : memref<128x200xi32, #tpu.memory_space<vmem>> -> memref<1x200xi32, #tpu.memory_space<vmem>>
    %dma_start3A_47 = tpu.memref_squeeze %dma_start3A_46 : memref<1x200xi32, #tpu.memory_space<vmem>> -> memref<200xi32, #tpu.memory_space<vmem>>
    %dma_start3A_48 = arith.constant 0 : i32
    %dma_start3A_49 = arith.constant 0 : i32
    %dma_start3A_50 = tpu.memref_slice %arg3[%dma_start3A_48, %dma_start3A_49] : memref<1048576x16xf32, #tpu.memory_space<hbm>> -> memref<1048576x16xf32, #tpu.memory_space<hbm>>
    tpu.enqueue_indirect_dma source(%dma_start3A_50 : memref<1048576x16xf32, #tpu.memory_space<hbm>>) target(%arg13 : memref<200x16xf32, #tpu.memory_space<vmem>>) offsets(%dma_start3A_47 : memref<200xi32, #tpu.memory_space<vmem>>) semaphore(%arg23 : memref<!tpu.dma_semaphore, #tpu.memory_space<semaphore_mem>>)
    %dma_start3A_51 = arith.constant 7 : i32
    %dma_start3A_52 = arith.constant 0 : i32
    %dma_start3A_53 = tpu.memref_slice %arg6[%dma_start3A_51, %dma_start3A_52] : memref<128x200xi32, #tpu.memory_space<vmem>> -> memref<1x200xi32, #tpu.memory_space<vmem>>
    %dma_start3A_54 = tpu.memref_squeeze %dma_start3A_53 : memref<1x200xi32, #tpu.memory_space<vmem>> -> memref<200xi32, #tpu.memory_space<vmem>>
    %dma_start3A_55 = arith.constant 0 : i32
    %dma_start3A_56 = arith.constant 0 : i32
    %dma_start3A_57 = tpu.memref_slice %arg3[%dma_start3A_55, %dma_start3A_56] : memref<1048576x16xf32, #tpu.memory_space<hbm>> -> memref<1048576x16xf32, #tpu.memory_space<hbm>>
    tpu.enqueue_indirect_dma source(%dma_start3A_57 : memref<1048576x16xf32, #tpu.memory_space<hbm>>) target(%arg14 : memref<200x16xf32, #tpu.memory_space<vmem>>) offsets(%dma_start3A_54 : memref<200xi32, #tpu.memory_space<vmem>>) semaphore(%arg24 : memref<!tpu.dma_semaphore, #tpu.memory_space<semaphore_mem>>)
    %get3A = arith.constant 0 : index
    %get3A_58 = tpu.vector_load %arg16[%get3A] {strides = array<i32>} : memref<16xf32, #tpu.memory_space<vmem>>, vector<16xf32>,
    %get3A_59 = vector.shape_cast %get3A_58 : vector<16xf32> to vector<16xf32>
    %scan3A = arith.constant 0 : i32
    %scan3A_60 = arith.constant 0 : i32
    %scan3A_61 = arith.constant 16 : i32
    %scan3A_62 = arith.addi %scan3A_60, %scan3A_61 : i32
    %scan3A_63 = arith.constant 1 : i32
    scf.for %scan3A_65 = %scan3A_60 to %scan3A_62 step %scan3A_63  : i32 {
      %mul3A_66 = arith.constant 8 : i32
      %mul3A_67 = arith.muli %scan3A_65, %mul3A_66 : i32
      %add3A_68 = arith.constant 0 : i32
      %add3A_69 = arith.addi %mul3A_67, %add3A_68 : i32
      %dma_wait3A = arith.constant 0 : i32
      %dma_wait3A_70 = arith.constant 0 : i32
      %dma_wait3A_71 = tpu.memref_slice %arg3[%dma_wait3A, %dma_wait3A_70] : memref<1048576x16xf32, #tpu.memory_space<hbm>> -> memref<200x16xf32, #tpu.memory_space<hbm>>
      %dma_wait3A_72 = arith.constant 0 : i32
      %dma_wait3A_73 = arith.constant 0 : i32
      %dma_wait3A_74 = tpu.memref_slice %arg3[%dma_wait3A_72, %dma_wait3A_73] : memref<1048576x16xf32, #tpu.memory_space<hbm>> -> memref<200x16xf32, #tpu.memory_space<hbm>>
      tpu.wait_dma2 semaphore(%arg17 : memref<!tpu.dma_semaphore, #tpu.memory_space<semaphore_mem>>) src(%dma_wait3A_74 : memref<200x16xf32, #tpu.memory_space<hbm>>) dst(%arg7 : memref<200x16xf32, #tpu.memory_space<vmem>>)
      %broadcast_in_dim3A = arith.constant 0.000000e+00 : f32
      %broadcast_in_dim3A_75 = vector.broadcast %broadcast_in_dim3A : f32 to vector<16xf32>
      %scan3A_76 = arith.constant 0 : i32
      %scan3A_77 = arith.constant 25 : i32
      %scan3A_78 = arith.addi %scan3A_76, %scan3A_77 : i32
      %scan3A_79 = arith.constant 1 : i32
      %scan3A_80 = scf.for %scan3A_294 = %scan3A_76 to %scan3A_78 step %scan3A_79 iter_args(%scan3A_295 = %broadcast_in_dim3A_75) -> (vector<16xf32>)  : i32 {
        %mul3A_296 = arith.constant 8 : i32
        %mul3A_297 = arith.muli %scan3A_294, %mul3A_296 : i32
        %add3A_298 = arith.constant 0 : i32
        %add3A_299 = arith.addi %mul3A_297, %add3A_298 : i32
        %get3A_300 = arith.index_cast %add3A_299 : i32 to index
        %get3A_301 = arith.constant 0 : index
        %get3A_302 = tpu.vector_load %arg7[%get3A_300, %get3A_301] {strides = array<i32>} : memref<200x16xf32, #tpu.memory_space<vmem>>, vector<1x16xf32>,
        %get3A_303 = vector.shape_cast %get3A_302 : vector<1x16xf32> to vector<16xf32>
        %add3A_304 = arith.addf %scan3A_295, %get3A_303 : vector<16xf32>
        %add3A_305 = arith.constant 1 : i32
        %add3A_306 = arith.addi %mul3A_297, %add3A_305 : i32
        %get3A_307 = arith.index_cast %add3A_306 : i32 to index
        %get3A_308 = arith.constant 0 : index
        %get3A_309 = tpu.vector_load %arg7[%get3A_307, %get3A_308] {strides = array<i32>} : memref<200x16xf32, #tpu.memory_space<vmem>>, vector<1x16xf32>,
        %get3A_310 = vector.shape_cast %get3A_309 : vector<1x16xf32> to vector<16xf32>
        %add3A_311 = arith.addf %add3A_304, %get3A_310 : vector<16xf32>
        %add3A_312 = arith.constant 2 : i32
        %add3A_313 = arith.addi %mul3A_297, %add3A_312 : i32
        %get3A_314 = arith.index_cast %add3A_313 : i32 to index
        %get3A_315 = arith.constant 0 : index
        %get3A_316 = tpu.vector_load %arg7[%get3A_314, %get3A_315] {strides = array<i32>} : memref<200x16xf32, #tpu.memory_space<vmem>>, vector<1x16xf32>,
        %get3A_317 = vector.shape_cast %get3A_316 : vector<1x16xf32> to vector<16xf32>
        %add3A_318 = arith.addf %add3A_311, %get3A_317 : vector<16xf32>
        %add3A_319 = arith.constant 3 : i32
        %add3A_320 = arith.addi %mul3A_297, %add3A_319 : i32
        %get3A_321 = arith.index_cast %add3A_320 : i32 to index
        %get3A_322 = arith.constant 0 : index
        %get3A_323 = tpu.vector_load %arg7[%get3A_321, %get3A_322] {strides = array<i32>} : memref<200x16xf32, #tpu.memory_space<vmem>>, vector<1x16xf32>,
        %get3A_324 = vector.shape_cast %get3A_323 : vector<1x16xf32> to vector<16xf32>
        %add3A_325 = arith.addf %add3A_318, %get3A_324 : vector<16xf32>
        %add3A_326 = arith.constant 4 : i32
        %add3A_327 = arith.addi %mul3A_297, %add3A_326 : i32
        %get3A_328 = arith.index_cast %add3A_327 : i32 to index
        %get3A_329 = arith.constant 0 : index
        %get3A_330 = tpu.vector_load %arg7[%get3A_328, %get3A_329] {strides = array<i32>} : memref<200x16xf32, #tpu.memory_space<vmem>>, vector<1x16xf32>,
        %get3A_331 = vector.shape_cast %get3A_330 : vector<1x16xf32> to vector<16xf32>
        %add3A_332 = arith.addf %add3A_325, %get3A_331 : vector<16xf32>
        %add3A_333 = arith.constant 5 : i32
        %add3A_334 = arith.addi %mul3A_297, %add3A_333 : i32
        %get3A_335 = arith.index_cast %add3A_334 : i32 to index
        %get3A_336 = arith.constant 0 : index
        %get3A_337 = tpu.vector_load %arg7[%get3A_335, %get3A_336] {strides = array<i32>} : memref<200x16xf32, #tpu.memory_space<vmem>>, vector<1x16xf32>,
        %get3A_338 = vector.shape_cast %get3A_337 : vector<1x16xf32> to vector<16xf32>
        %add3A_339 = arith.addf %add3A_332, %get3A_338 : vector<16xf32>
        %add3A_340 = arith.constant 6 : i32
        %add3A_341 = arith.addi %mul3A_297, %add3A_340 : i32
        %get3A_342 = arith.index_cast %add3A_341 : i32 to index
        %get3A_343 = arith.constant 0 : index
        %get3A_344 = tpu.vector_load %arg7[%get3A_342, %get3A_343] {strides = array<i32>} : memref<200x16xf32, #tpu.memory_space<vmem>>, vector<1x16xf32>,
        %get3A_345 = vector.shape_cast %get3A_344 : vector<1x16xf32> to vector<16xf32>
        %add3A_346 = arith.addf %add3A_339, %get3A_345 : vector<16xf32>
        %add3A_347 = arith.constant 7 : i32
        %add3A_348 = arith.addi %mul3A_297, %add3A_347 : i32
        %get3A_349 = arith.index_cast %add3A_348 : i32 to index
        %get3A_350 = arith.constant 0 : index
        %get3A_351 = tpu.vector_load %arg7[%get3A_349, %get3A_350] {strides = array<i32>} : memref<200x16xf32, #tpu.memory_space<vmem>>, vector<1x16xf32>,
        %get3A_352 = vector.shape_cast %get3A_351 : vector<1x16xf32> to vector<16xf32>
        %add3A_353 = arith.addf %add3A_346, %get3A_352 : vector<16xf32>
        scf.yield %add3A_353 : vector<16xf32>
      }
      %scan3A_81 = arith.constant 25 : i32
      %add3A_82 = arith.addf %scan3A_80, %get3A_59 : vector<16xf32>
      %swap3A = arith.index_cast %add3A_69 : i32 to index
      %swap3A_83 = arith.constant 0 : index
      %swap3A_84 = tpu.vector_load %arg15[%swap3A, %swap3A_83] {strides = array<i32>} : memref<128x16xf32, #tpu.memory_space<vmem>>, vector<1x16xf32>,
      %swap3A_85 = vector.shape_cast %swap3A_84 : vector<1x16xf32> to vector<16xf32>
      %swap3A_86 = vector.shape_cast %add3A_82 : vector<16xf32> to vector<1x16xf32>
      tpu.vector_store %arg15[%swap3A, %swap3A_83], %swap3A_86 {strides = array<i32>} : memref<128x16xf32, #tpu.memory_space<vmem>>, vector<1x16xf32>,
      %add3A_87 = arith.constant 8 : i32
      %add3A_88 = arith.addi %add3A_69, %add3A_87 : i32
      %lt3A = arith.constant 128 : i32
      %lt3A_89 = arith.cmpi slt, %add3A_88, %lt3A : i32
      %convert_element_type3A = arith.extui %lt3A_89 : i1 to i32
      %cond3A = arith.constant 0 : i32
      %cond3A_90 = arith.cmpi ne, %convert_element_type3A, %cond3A : i32
      scf.if %cond3A_90 {
        %add3A_294 = arith.constant 8 : i32
        %add3A_295 = arith.addi %add3A_69, %add3A_294 : i32
        %dma_start3A_296 = arith.constant 0 : i32
        %dma_start3A_297 = tpu.memref_slice %arg6[%add3A_295, %dma_start3A_296] : memref<128x200xi32, #tpu.memory_space<vmem>> -> memref<1x200xi32, #tpu.memory_space<vmem>>
        %dma_start3A_298 = tpu.memref_squeeze %dma_start3A_297 : memref<1x200xi32, #tpu.memory_space<vmem>> -> memref<200xi32, #tpu.memory_space<vmem>>
        %dma_start3A_299 = arith.constant 0 : i32
        %dma_start3A_300 = arith.constant 0 : i32
        %dma_start3A_301 = tpu.memref_slice %arg3[%dma_start3A_299, %dma_start3A_300] : memref<1048576x16xf32, #tpu.memory_space<hbm>> -> memref<1048576x16xf32, #tpu.memory_space<hbm>>
        tpu.enqueue_indirect_dma source(%dma_start3A_301 : memref<1048576x16xf32, #tpu.memory_space<hbm>>) target(%arg7 : memref<200x16xf32, #tpu.memory_space<vmem>>) offsets(%dma_start3A_298 : memref<200xi32, #tpu.memory_space<vmem>>) semaphore(%arg17 : memref<!tpu.dma_semaphore, #tpu.memory_space<semaphore_mem>>)
      } else {
      }
      %add3A_91 = arith.constant 1 : i32
      %add3A_92 = arith.addi %mul3A_67, %add3A_91 : i32
      %dma_wait3A_93 = arith.constant 0 : i32
      %dma_wait3A_94 = arith.constant 0 : i32
      %dma_wait3A_95 = tpu.memref_slice %arg3[%dma_wait3A_93, %dma_wait3A_94] : memref<1048576x16xf32, #tpu.memory_space<hbm>> -> memref<200x16xf32, #tpu.memory_space<hbm>>
      %dma_wait3A_96 = arith.constant 0 : i32
      %dma_wait3A_97 = arith.constant 0 : i32
      %dma_wait3A_98 = tpu.memref_slice %arg3[%dma_wait3A_96, %dma_wait3A_97] : memref<1048576x16xf32, #tpu.memory_space<hbm>> -> memref<200x16xf32, #tpu.memory_space<hbm>>
      tpu.wait_dma2 semaphore(%arg18 : memref<!tpu.dma_semaphore, #tpu.memory_space<semaphore_mem>>) src(%dma_wait3A_98 : memref<200x16xf32, #tpu.memory_space<hbm>>) dst(%arg8 : memref<200x16xf32, #tpu.memory_space<vmem>>)
      %broadcast_in_dim3A_99 = arith.constant 0.000000e+00 : f32
      %broadcast_in_dim3A_100 = vector.broadcast %broadcast_in_dim3A_99 : f32 to vector<16xf32>
      %scan3A_101 = arith.constant 0 : i32
      %scan3A_102 = arith.constant 25 : i32
      %scan3A_103 = arith.addi %scan3A_101, %scan3A_102 : i32
      %scan3A_104 = arith.constant 1 : i32
      %scan3A_105 = scf.for %scan3A_294 = %scan3A_101 to %scan3A_103 step %scan3A_104 iter_args(%scan3A_295 = %broadcast_in_dim3A_100) -> (vector<16xf32>)  : i32 {
        %mul3A_296 = arith.constant 8 : i32
        %mul3A_297 = arith.muli %scan3A_294, %mul3A_296 : i32
        %add3A_298 = arith.constant 0 : i32
        %add3A_299 = arith.addi %mul3A_297, %add3A_298 : i32
        %get3A_300 = arith.index_cast %add3A_299 : i32 to index
        %get3A_301 = arith.constant 0 : index
        %get3A_302 = tpu.vector_load %arg8[%get3A_300, %get3A_301] {strides = array<i32>} : memref<200x16xf32, #tpu.memory_space<vmem>>, vector<1x16xf32>,
        %get3A_303 = vector.shape_cast %get3A_302 : vector<1x16xf32> to vector<16xf32>
        %add3A_304 = arith.addf %scan3A_295, %get3A_303 : vector<16xf32>
        %add3A_305 = arith.constant 1 : i32
        %add3A_306 = arith.addi %mul3A_297, %add3A_305 : i32
        %get3A_307 = arith.index_cast %add3A_306 : i32 to index
        %get3A_308 = arith.constant 0 : index
        %get3A_309 = tpu.vector_load %arg8[%get3A_307, %get3A_308] {strides = array<i32>} : memref<200x16xf32, #tpu.memory_space<vmem>>, vector<1x16xf32>,
        %get3A_310 = vector.shape_cast %get3A_309 : vector<1x16xf32> to vector<16xf32>
        %add3A_311 = arith.addf %add3A_304, %get3A_310 : vector<16xf32>
        %add3A_312 = arith.constant 2 : i32
        %add3A_313 = arith.addi %mul3A_297, %add3A_312 : i32
        %get3A_314 = arith.index_cast %add3A_313 : i32 to index
        %get3A_315 = arith.constant 0 : index
        %get3A_316 = tpu.vector_load %arg8[%get3A_314, %get3A_315] {strides = array<i32>} : memref<200x16xf32, #tpu.memory_space<vmem>>, vector<1x16xf32>,
        %get3A_317 = vector.shape_cast %get3A_316 : vector<1x16xf32> to vector<16xf32>
        %add3A_318 = arith.addf %add3A_311, %get3A_317 : vector<16xf32>
        %add3A_319 = arith.constant 3 : i32
        %add3A_320 = arith.addi %mul3A_297, %add3A_319 : i32
        %get3A_321 = arith.index_cast %add3A_320 : i32 to index
        %get3A_322 = arith.constant 0 : index
        %get3A_323 = tpu.vector_load %arg8[%get3A_321, %get3A_322] {strides = array<i32>} : memref<200x16xf32, #tpu.memory_space<vmem>>, vector<1x16xf32>,
        %get3A_324 = vector.shape_cast %get3A_323 : vector<1x16xf32> to vector<16xf32>
        %add3A_325 = arith.addf %add3A_318, %get3A_324 : vector<16xf32>
        %add3A_326 = arith.constant 4 : i32
        %add3A_327 = arith.addi %mul3A_297, %add3A_326 : i32
        %get3A_328 = arith.index_cast %add3A_327 : i32 to index
        %get3A_329 = arith.constant 0 : index
        %get3A_330 = tpu.vector_load %arg8[%get3A_328, %get3A_329] {strides = array<i32>} : memref<200x16xf32, #tpu.memory_space<vmem>>, vector<1x16xf32>,
        %get3A_331 = vector.shape_cast %get3A_330 : vector<1x16xf32> to vector<16xf32>
        %add3A_332 = arith.addf %add3A_325, %get3A_331 : vector<16xf32>
        %add3A_333 = arith.constant 5 : i32
        %add3A_334 = arith.addi %mul3A_297, %add3A_333 : i32
        %get3A_335 = arith.index_cast %add3A_334 : i32 to index
        %get3A_336 = arith.constant 0 : index
        %get3A_337 = tpu.vector_load %arg8[%get3A_335, %get3A_336] {strides = array<i32>} : memref<200x16xf32, #tpu.memory_space<vmem>>, vector<1x16xf32>,
        %get3A_338 = vector.shape_cast %get3A_337 : vector<1x16xf32> to vector<16xf32>
        %add3A_339 = arith.addf %add3A_332, %get3A_338 : vector<16xf32>
        %add3A_340 = arith.constant 6 : i32
        %add3A_341 = arith.addi %mul3A_297, %add3A_340 : i32
        %get3A_342 = arith.index_cast %add3A_341 : i32 to index
        %get3A_343 = arith.constant 0 : index
        %get3A_344 = tpu.vector_load %arg8[%get3A_342, %get3A_343] {strides = array<i32>} : memref<200x16xf32, #tpu.memory_space<vmem>>, vector<1x16xf32>,
        %get3A_345 = vector.shape_cast %get3A_344 : vector<1x16xf32> to vector<16xf32>
        %add3A_346 = arith.addf %add3A_339, %get3A_345 : vector<16xf32>
        %add3A_347 = arith.constant 7 : i32
        %add3A_348 = arith.addi %mul3A_297, %add3A_347 : i32
        %get3A_349 = arith.index_cast %add3A_348 : i32 to index
        %get3A_350 = arith.constant 0 : index
        %get3A_351 = tpu.vector_load %arg8[%get3A_349, %get3A_350] {strides = array<i32>} : memref<200x16xf32, #tpu.memory_space<vmem>>, vector<1x16xf32>,
        %get3A_352 = vector.shape_cast %get3A_351 : vector<1x16xf32> to vector<16xf32>
        %add3A_353 = arith.addf %add3A_346, %get3A_352 : vector<16xf32>
        scf.yield %add3A_353 : vector<16xf32>
      }
      %scan3A_106 = arith.constant 25 : i32
      %add3A_107 = arith.addf %scan3A_105, %get3A_59 : vector<16xf32>
      %swap3A_108 = arith.index_cast %add3A_92 : i32 to index
      %swap3A_109 = arith.constant 0 : index
      %swap3A_110 = tpu.vector_load %arg15[%swap3A_108, %swap3A_109] {strides = array<i32>} : memref<128x16xf32, #tpu.memory_space<vmem>>, vector<1x16xf32>,
      %swap3A_111 = vector.shape_cast %swap3A_110 : vector<1x16xf32> to vector<16xf32>
      %swap3A_112 = vector.shape_cast %add3A_107 : vector<16xf32> to vector<1x16xf32>
      tpu.vector_store %arg15[%swap3A_108, %swap3A_109], %swap3A_112 {strides = array<i32>} : memref<128x16xf32, #tpu.memory_space<vmem>>, vector<1x16xf32>,
      %add3A_113 = arith.constant 8 : i32
      %add3A_114 = arith.addi %add3A_92, %add3A_113 : i32
      %lt3A_115 = arith.constant 128 : i32
      %lt3A_116 = arith.cmpi slt, %add3A_114, %lt3A_115 : i32
      %convert_element_type3A_117 = arith.extui %lt3A_116 : i1 to i32
      %cond3A_118 = arith.constant 0 : i32
      %cond3A_119 = arith.cmpi ne, %convert_element_type3A_117, %cond3A_118 : i32
      scf.if %cond3A_119 {
        %add3A_294 = arith.constant 8 : i32
        %add3A_295 = arith.addi %add3A_92, %add3A_294 : i32
        %dma_start3A_296 = arith.constant 0 : i32
        %dma_start3A_297 = tpu.memref_slice %arg6[%add3A_295, %dma_start3A_296] : memref<128x200xi32, #tpu.memory_space<vmem>> -> memref<1x200xi32, #tpu.memory_space<vmem>>
        %dma_start3A_298 = tpu.memref_squeeze %dma_start3A_297 : memref<1x200xi32, #tpu.memory_space<vmem>> -> memref<200xi32, #tpu.memory_space<vmem>>
        %dma_start3A_299 = arith.constant 0 : i32
        %dma_start3A_300 = arith.constant 0 : i32
        %dma_start3A_301 = tpu.memref_slice %arg3[%dma_start3A_299, %dma_start3A_300] : memref<1048576x16xf32, #tpu.memory_space<hbm>> -> memref<1048576x16xf32, #tpu.memory_space<hbm>>
        tpu.enqueue_indirect_dma source(%dma_start3A_301 : memref<1048576x16xf32, #tpu.memory_space<hbm>>) target(%arg8 : memref<200x16xf32, #tpu.memory_space<vmem>>) offsets(%dma_start3A_298 : memref<200xi32, #tpu.memory_space<vmem>>) semaphore(%arg18 : memref<!tpu.dma_semaphore, #tpu.memory_space<semaphore_mem>>)
      } else {
      }
      %add3A_120 = arith.constant 2 : i32
      %add3A_121 = arith.addi %mul3A_67, %add3A_120 : i32
      %dma_wait3A_122 = arith.constant 0 : i32
      %dma_wait3A_123 = arith.constant 0 : i32
      %dma_wait3A_124 = tpu.memref_slice %arg3[%dma_wait3A_122, %dma_wait3A_123] : memref<1048576x16xf32, #tpu.memory_space<hbm>> -> memref<200x16xf32, #tpu.memory_space<hbm>>
      %dma_wait3A_125 = arith.constant 0 : i32
      %dma_wait3A_126 = arith.constant 0 : i32
      %dma_wait3A_127 = tpu.memref_slice %arg3[%dma_wait3A_125, %dma_wait3A_126] : memref<1048576x16xf32, #tpu.memory_space<hbm>> -> memref<200x16xf32, #tpu.memory_space<hbm>>
      tpu.wait_dma2 semaphore(%arg19 : memref<!tpu.dma_semaphore, #tpu.memory_space<semaphore_mem>>) src(%dma_wait3A_127 : memref<200x16xf32, #tpu.memory_space<hbm>>) dst(%arg9 : memref<200x16xf32, #tpu.memory_space<vmem>>)
      %broadcast_in_dim3A_128 = arith.constant 0.000000e+00 : f32
      %broadcast_in_dim3A_129 = vector.broadcast %broadcast_in_dim3A_128 : f32 to vector<16xf32>
      %scan3A_130 = arith.constant 0 : i32
      %scan3A_131 = arith.constant 25 : i32
      %scan3A_132 = arith.addi %scan3A_130, %scan3A_131 : i32
      %scan3A_133 = arith.constant 1 : i32
      %scan3A_134 = scf.for %scan3A_294 = %scan3A_130 to %scan3A_132 step %scan3A_133 iter_args(%scan3A_295 = %broadcast_in_dim3A_129) -> (vector<16xf32>)  : i32 {
        %mul3A_296 = arith.constant 8 : i32
        %mul3A_297 = arith.muli %scan3A_294, %mul3A_296 : i32
        %add3A_298 = arith.constant 0 : i32
        %add3A_299 = arith.addi %mul3A_297, %add3A_298 : i32
        %get3A_300 = arith.index_cast %add3A_299 : i32 to index
        %get3A_301 = arith.constant 0 : index
        %get3A_302 = tpu.vector_load %arg9[%get3A_300, %get3A_301] {strides = array<i32>} : memref<200x16xf32, #tpu.memory_space<vmem>>, vector<1x16xf32>,
        %get3A_303 = vector.shape_cast %get3A_302 : vector<1x16xf32> to vector<16xf32>
        %add3A_304 = arith.addf %scan3A_295, %get3A_303 : vector<16xf32>
        %add3A_305 = arith.constant 1 : i32
        %add3A_306 = arith.addi %mul3A_297, %add3A_305 : i32
        %get3A_307 = arith.index_cast %add3A_306 : i32 to index
        %get3A_308 = arith.constant 0 : index
        %get3A_309 = tpu.vector_load %arg9[%get3A_307, %get3A_308] {strides = array<i32>} : memref<200x16xf32, #tpu.memory_space<vmem>>, vector<1x16xf32>,
        %get3A_310 = vector.shape_cast %get3A_309 : vector<1x16xf32> to vector<16xf32>
        %add3A_311 = arith.addf %add3A_304, %get3A_310 : vector<16xf32>
        %add3A_312 = arith.constant 2 : i32
        %add3A_313 = arith.addi %mul3A_297, %add3A_312 : i32
        %get3A_314 = arith.index_cast %add3A_313 : i32 to index
        %get3A_315 = arith.constant 0 : index
        %get3A_316 = tpu.vector_load %arg9[%get3A_314, %get3A_315] {strides = array<i32>} : memref<200x16xf32, #tpu.memory_space<vmem>>, vector<1x16xf32>,
        %get3A_317 = vector.shape_cast %get3A_316 : vector<1x16xf32> to vector<16xf32>
        %add3A_318 = arith.addf %add3A_311, %get3A_317 : vector<16xf32>
        %add3A_319 = arith.constant 3 : i32
        %add3A_320 = arith.addi %mul3A_297, %add3A_319 : i32
        %get3A_321 = arith.index_cast %add3A_320 : i32 to index
        %get3A_322 = arith.constant 0 : index
        %get3A_323 = tpu.vector_load %arg9[%get3A_321, %get3A_322] {strides = array<i32>} : memref<200x16xf32, #tpu.memory_space<vmem>>, vector<1x16xf32>,
        %get3A_324 = vector.shape_cast %get3A_323 : vector<1x16xf32> to vector<16xf32>
        %add3A_325 = arith.addf %add3A_318, %get3A_324 : vector<16xf32>
        %add3A_326 = arith.constant 4 : i32
        %add3A_327 = arith.addi %mul3A_297, %add3A_326 : i32
        %get3A_328 = arith.index_cast %add3A_327 : i32 to index
        %get3A_329 = arith.constant 0 : index
        %get3A_330 = tpu.vector_load %arg9[%get3A_328, %get3A_329] {strides = array<i32>} : memref<200x16xf32, #tpu.memory_space<vmem>>, vector<1x16xf32>,
        %get3A_331 = vector.shape_cast %get3A_330 : vector<1x16xf32> to vector<16xf32>
        %add3A_332 = arith.addf %add3A_325, %get3A_331 : vector<16xf32>
        %add3A_333 = arith.constant 5 : i32
        %add3A_334 = arith.addi %mul3A_297, %add3A_333 : i32
        %get3A_335 = arith.index_cast %add3A_334 : i32 to index
        %get3A_336 = arith.constant 0 : index
        %get3A_337 = tpu.vector_load %arg9[%get3A_335, %get3A_336] {strides = array<i32>} : memref<200x16xf32, #tpu.memory_space<vmem>>, vector<1x16xf32>,
        %get3A_338 = vector.shape_cast %get3A_337 : vector<1x16xf32> to vector<16xf32>
        %add3A_339 = arith.addf %add3A_332, %get3A_338 : vector<16xf32>
        %add3A_340 = arith.constant 6 : i32
        %add3A_341 = arith.addi %mul3A_297, %add3A_340 : i32
        %get3A_342 = arith.index_cast %add3A_341 : i32 to index
        %get3A_343 = arith.constant 0 : index
        %get3A_344 = tpu.vector_load %arg9[%get3A_342, %get3A_343] {strides = array<i32>} : memref<200x16xf32, #tpu.memory_space<vmem>>, vector<1x16xf32>,
        %get3A_345 = vector.shape_cast %get3A_344 : vector<1x16xf32> to vector<16xf32>
        %add3A_346 = arith.addf %add3A_339, %get3A_345 : vector<16xf32>
        %add3A_347 = arith.constant 7 : i32
        %add3A_348 = arith.addi %mul3A_297, %add3A_347 : i32
        %get3A_349 = arith.index_cast %add3A_348 : i32 to index
        %get3A_350 = arith.constant 0 : index
        %get3A_351 = tpu.vector_load %arg9[%get3A_349, %get3A_350] {strides = array<i32>} : memref<200x16xf32, #tpu.memory_space<vmem>>, vector<1x16xf32>,
        %get3A_352 = vector.shape_cast %get3A_351 : vector<1x16xf32> to vector<16xf32>
        %add3A_353 = arith.addf %add3A_346, %get3A_352 : vector<16xf32>
        scf.yield %add3A_353 : vector<16xf32>
      }
      %scan3A_135 = arith.constant 25 : i32
      %add3A_136 = arith.addf %scan3A_134, %get3A_59 : vector<16xf32>
      %swap3A_137 = arith.index_cast %add3A_121 : i32 to index
      %swap3A_138 = arith.constant 0 : index
      %swap3A_139 = tpu.vector_load %arg15[%swap3A_137, %swap3A_138] {strides = array<i32>} : memref<128x16xf32, #tpu.memory_space<vmem>>, vector<1x16xf32>,
      %swap3A_140 = vector.shape_cast %swap3A_139 : vector<1x16xf32> to vector<16xf32>
      %swap3A_141 = vector.shape_cast %add3A_136 : vector<16xf32> to vector<1x16xf32>
      tpu.vector_store %arg15[%swap3A_137, %swap3A_138], %swap3A_141 {strides = array<i32>} : memref<128x16xf32, #tpu.memory_space<vmem>>, vector<1x16xf32>,
      %add3A_142 = arith.constant 8 : i32
      %add3A_143 = arith.addi %add3A_121, %add3A_142 : i32
      %lt3A_144 = arith.constant 128 : i32
      %lt3A_145 = arith.cmpi slt, %add3A_143, %lt3A_144 : i32
      %convert_element_type3A_146 = arith.extui %lt3A_145 : i1 to i32
      %cond3A_147 = arith.constant 0 : i32
      %cond3A_148 = arith.cmpi ne, %convert_element_type3A_146, %cond3A_147 : i32
      scf.if %cond3A_148 {
        %add3A_294 = arith.constant 8 : i32
        %add3A_295 = arith.addi %add3A_121, %add3A_294 : i32
        %dma_start3A_296 = arith.constant 0 : i32
        %dma_start3A_297 = tpu.memref_slice %arg6[%add3A_295, %dma_start3A_296] : memref<128x200xi32, #tpu.memory_space<vmem>> -> memref<1x200xi32, #tpu.memory_space<vmem>>
        %dma_start3A_298 = tpu.memref_squeeze %dma_start3A_297 : memref<1x200xi32, #tpu.memory_space<vmem>> -> memref<200xi32, #tpu.memory_space<vmem>>
        %dma_start3A_299 = arith.constant 0 : i32
        %dma_start3A_300 = arith.constant 0 : i32
        %dma_start3A_301 = tpu.memref_slice %arg3[%dma_start3A_299, %dma_start3A_300] : memref<1048576x16xf32, #tpu.memory_space<hbm>> -> memref<1048576x16xf32, #tpu.memory_space<hbm>>
        tpu.enqueue_indirect_dma source(%dma_start3A_301 : memref<1048576x16xf32, #tpu.memory_space<hbm>>) target(%arg9 : memref<200x16xf32, #tpu.memory_space<vmem>>) offsets(%dma_start3A_298 : memref<200xi32, #tpu.memory_space<vmem>>) semaphore(%arg19 : memref<!tpu.dma_semaphore, #tpu.memory_space<semaphore_mem>>)
      } else {
      }
      %add3A_149 = arith.constant 3 : i32
      %add3A_150 = arith.addi %mul3A_67, %add3A_149 : i32
      %dma_wait3A_151 = arith.constant 0 : i32
      %dma_wait3A_152 = arith.constant 0 : i32
      %dma_wait3A_153 = tpu.memref_slice %arg3[%dma_wait3A_151, %dma_wait3A_152] : memref<1048576x16xf32, #tpu.memory_space<hbm>> -> memref<200x16xf32, #tpu.memory_space<hbm>>
      %dma_wait3A_154 = arith.constant 0 : i32
      %dma_wait3A_155 = arith.constant 0 : i32
      %dma_wait3A_156 = tpu.memref_slice %arg3[%dma_wait3A_154, %dma_wait3A_155] : memref<1048576x16xf32, #tpu.memory_space<hbm>> -> memref<200x16xf32, #tpu.memory_space<hbm>>
      tpu.wait_dma2 semaphore(%arg20 : memref<!tpu.dma_semaphore, #tpu.memory_space<semaphore_mem>>) src(%dma_wait3A_156 : memref<200x16xf32, #tpu.memory_space<hbm>>) dst(%arg10 : memref<200x16xf32, #tpu.memory_space<vmem>>)
      %broadcast_in_dim3A_157 = arith.constant 0.000000e+00 : f32
      %broadcast_in_dim3A_158 = vector.broadcast %broadcast_in_dim3A_157 : f32 to vector<16xf32>
      %scan3A_159 = arith.constant 0 : i32
      %scan3A_160 = arith.constant 25 : i32
      %scan3A_161 = arith.addi %scan3A_159, %scan3A_160 : i32
      %scan3A_162 = arith.constant 1 : i32
      %scan3A_163 = scf.for %scan3A_294 = %scan3A_159 to %scan3A_161 step %scan3A_162 iter_args(%scan3A_295 = %broadcast_in_dim3A_158) -> (vector<16xf32>)  : i32 {
        %mul3A_296 = arith.constant 8 : i32
        %mul3A_297 = arith.muli %scan3A_294, %mul3A_296 : i32
        %add3A_298 = arith.constant 0 : i32
        %add3A_299 = arith.addi %mul3A_297, %add3A_298 : i32
        %get3A_300 = arith.index_cast %add3A_299 : i32 to index
        %get3A_301 = arith.constant 0 : index
        %get3A_302 = tpu.vector_load %arg10[%get3A_300, %get3A_301] {strides = array<i32>} : memref<200x16xf32, #tpu.memory_space<vmem>>, vector<1x16xf32>,
        %get3A_303 = vector.shape_cast %get3A_302 : vector<1x16xf32> to vector<16xf32>
        %add3A_304 = arith.addf %scan3A_295, %get3A_303 : vector<16xf32>
        %add3A_305 = arith.constant 1 : i32
        %add3A_306 = arith.addi %mul3A_297, %add3A_305 : i32
        %get3A_307 = arith.index_cast %add3A_306 : i32 to index
        %get3A_308 = arith.constant 0 : index
        %get3A_309 = tpu.vector_load %arg10[%get3A_307, %get3A_308] {strides = array<i32>} : memref<200x16xf32, #tpu.memory_space<vmem>>, vector<1x16xf32>,
        %get3A_310 = vector.shape_cast %get3A_309 : vector<1x16xf32> to vector<16xf32>
        %add3A_311 = arith.addf %add3A_304, %get3A_310 : vector<16xf32>
        %add3A_312 = arith.constant 2 : i32
        %add3A_313 = arith.addi %mul3A_297, %add3A_312 : i32
        %get3A_314 = arith.index_cast %add3A_313 : i32 to index
        %get3A_315 = arith.constant 0 : index
        %get3A_316 = tpu.vector_load %arg10[%get3A_314, %get3A_315] {strides = array<i32>} : memref<200x16xf32, #tpu.memory_space<vmem>>, vector<1x16xf32>,
        %get3A_317 = vector.shape_cast %get3A_316 : vector<1x16xf32> to vector<16xf32>
        %add3A_318 = arith.addf %add3A_311, %get3A_317 : vector<16xf32>
        %add3A_319 = arith.constant 3 : i32
        %add3A_320 = arith.addi %mul3A_297, %add3A_319 : i32
        %get3A_321 = arith.index_cast %add3A_320 : i32 to index
        %get3A_322 = arith.constant 0 : index
        %get3A_323 = tpu.vector_load %arg10[%get3A_321, %get3A_322] {strides = array<i32>} : memref<200x16xf32, #tpu.memory_space<vmem>>, vector<1x16xf32>,
        %get3A_324 = vector.shape_cast %get3A_323 : vector<1x16xf32> to vector<16xf32>
        %add3A_325 = arith.addf %add3A_318, %get3A_324 : vector<16xf32>
        %add3A_326 = arith.constant 4 : i32
        %add3A_327 = arith.addi %mul3A_297, %add3A_326 : i32
        %get3A_328 = arith.index_cast %add3A_327 : i32 to index
        %get3A_329 = arith.constant 0 : index
        %get3A_330 = tpu.vector_load %arg10[%get3A_328, %get3A_329] {strides = array<i32>} : memref<200x16xf32, #tpu.memory_space<vmem>>, vector<1x16xf32>,
        %get3A_331 = vector.shape_cast %get3A_330 : vector<1x16xf32> to vector<16xf32>
        %add3A_332 = arith.addf %add3A_325, %get3A_331 : vector<16xf32>
        %add3A_333 = arith.constant 5 : i32
        %add3A_334 = arith.addi %mul3A_297, %add3A_333 : i32
        %get3A_335 = arith.index_cast %add3A_334 : i32 to index
        %get3A_336 = arith.constant 0 : index
        %get3A_337 = tpu.vector_load %arg10[%get3A_335, %get3A_336] {strides = array<i32>} : memref<200x16xf32, #tpu.memory_space<vmem>>, vector<1x16xf32>,
        %get3A_338 = vector.shape_cast %get3A_337 : vector<1x16xf32> to vector<16xf32>
        %add3A_339 = arith.addf %add3A_332, %get3A_338 : vector<16xf32>
        %add3A_340 = arith.constant 6 : i32
        %add3A_341 = arith.addi %mul3A_297, %add3A_340 : i32
        %get3A_342 = arith.index_cast %add3A_341 : i32 to index
        %get3A_343 = arith.constant 0 : index
        %get3A_344 = tpu.vector_load %arg10[%get3A_342, %get3A_343] {strides = array<i32>} : memref<200x16xf32, #tpu.memory_space<vmem>>, vector<1x16xf32>,
        %get3A_345 = vector.shape_cast %get3A_344 : vector<1x16xf32> to vector<16xf32>
        %add3A_346 = arith.addf %add3A_339, %get3A_345 : vector<16xf32>
        %add3A_347 = arith.constant 7 : i32
        %add3A_348 = arith.addi %mul3A_297, %add3A_347 : i32
        %get3A_349 = arith.index_cast %add3A_348 : i32 to index
        %get3A_350 = arith.constant 0 : index
        %get3A_351 = tpu.vector_load %arg10[%get3A_349, %get3A_350] {strides = array<i32>} : memref<200x16xf32, #tpu.memory_space<vmem>>, vector<1x16xf32>,
        %get3A_352 = vector.shape_cast %get3A_351 : vector<1x16xf32> to vector<16xf32>
        %add3A_353 = arith.addf %add3A_346, %get3A_352 : vector<16xf32>
        scf.yield %add3A_353 : vector<16xf32>
      }
      %scan3A_164 = arith.constant 25 : i32
      %add3A_165 = arith.addf %scan3A_163, %get3A_59 : vector<16xf32>
      %swap3A_166 = arith.index_cast %add3A_150 : i32 to index
      %swap3A_167 = arith.constant 0 : index
      %swap3A_168 = tpu.vector_load %arg15[%swap3A_166, %swap3A_167] {strides = array<i32>} : memref<128x16xf32, #tpu.memory_space<vmem>>, vector<1x16xf32>,
      %swap3A_169 = vector.shape_cast %swap3A_168 : vector<1x16xf32> to vector<16xf32>
      %swap3A_170 = vector.shape_cast %add3A_165 : vector<16xf32> to vector<1x16xf32>
      tpu.vector_store %arg15[%swap3A_166, %swap3A_167], %swap3A_170 {strides = array<i32>} : memref<128x16xf32, #tpu.memory_space<vmem>>, vector<1x16xf32>,
      %add3A_171 = arith.constant 8 : i32
      %add3A_172 = arith.addi %add3A_150, %add3A_171 : i32
      %lt3A_173 = arith.constant 128 : i32
      %lt3A_174 = arith.cmpi slt, %add3A_172, %lt3A_173 : i32
      %convert_element_type3A_175 = arith.extui %lt3A_174 : i1 to i32
      %cond3A_176 = arith.constant 0 : i32
      %cond3A_177 = arith.cmpi ne, %convert_element_type3A_175, %cond3A_176 : i32
      scf.if %cond3A_177 {
        %add3A_294 = arith.constant 8 : i32
        %add3A_295 = arith.addi %add3A_150, %add3A_294 : i32
        %dma_start3A_296 = arith.constant 0 : i32
        %dma_start3A_297 = tpu.memref_slice %arg6[%add3A_295, %dma_start3A_296] : memref<128x200xi32, #tpu.memory_space<vmem>> -> memref<1x200xi32, #tpu.memory_space<vmem>>
        %dma_start3A_298 = tpu.memref_squeeze %dma_start3A_297 : memref<1x200xi32, #tpu.memory_space<vmem>> -> memref<200xi32, #tpu.memory_space<vmem>>
        %dma_start3A_299 = arith.constant 0 : i32
        %dma_start3A_300 = arith.constant 0 : i32
        %dma_start3A_301 = tpu.memref_slice %arg3[%dma_start3A_299, %dma_start3A_300] : memref<1048576x16xf32, #tpu.memory_space<hbm>> -> memref<1048576x16xf32, #tpu.memory_space<hbm>>
        tpu.enqueue_indirect_dma source(%dma_start3A_301 : memref<1048576x16xf32, #tpu.memory_space<hbm>>) target(%arg10 : memref<200x16xf32, #tpu.memory_space<vmem>>) offsets(%dma_start3A_298 : memref<200xi32, #tpu.memory_space<vmem>>) semaphore(%arg20 : memref<!tpu.dma_semaphore, #tpu.memory_space<semaphore_mem>>)
      } else {
      }
      %add3A_178 = arith.constant 4 : i32
      %add3A_179 = arith.addi %mul3A_67, %add3A_178 : i32
      %dma_wait3A_180 = arith.constant 0 : i32
      %dma_wait3A_181 = arith.constant 0 : i32
      %dma_wait3A_182 = tpu.memref_slice %arg3[%dma_wait3A_180, %dma_wait3A_181] : memref<1048576x16xf32, #tpu.memory_space<hbm>> -> memref<200x16xf32, #tpu.memory_space<hbm>>
      %dma_wait3A_183 = arith.constant 0 : i32
      %dma_wait3A_184 = arith.constant 0 : i32
      %dma_wait3A_185 = tpu.memref_slice %arg3[%dma_wait3A_183, %dma_wait3A_184] : memref<1048576x16xf32, #tpu.memory_space<hbm>> -> memref<200x16xf32, #tpu.memory_space<hbm>>
      tpu.wait_dma2 semaphore(%arg21 : memref<!tpu.dma_semaphore, #tpu.memory_space<semaphore_mem>>) src(%dma_wait3A_185 : memref<200x16xf32, #tpu.memory_space<hbm>>) dst(%arg11 : memref<200x16xf32, #tpu.memory_space<vmem>>)
      %broadcast_in_dim3A_186 = arith.constant 0.000000e+00 : f32
      %broadcast_in_dim3A_187 = vector.broadcast %broadcast_in_dim3A_186 : f32 to vector<16xf32>
      %scan3A_188 = arith.constant 0 : i32
      %scan3A_189 = arith.constant 25 : i32
      %scan3A_190 = arith.addi %scan3A_188, %scan3A_189 : i32
      %scan3A_191 = arith.constant 1 : i32
      %scan3A_192 = scf.for %scan3A_294 = %scan3A_188 to %scan3A_190 step %scan3A_191 iter_args(%scan3A_295 = %broadcast_in_dim3A_187) -> (vector<16xf32>)  : i32 {
        %mul3A_296 = arith.constant 8 : i32
        %mul3A_297 = arith.muli %scan3A_294, %mul3A_296 : i32
        %add3A_298 = arith.constant 0 : i32
        %add3A_299 = arith.addi %mul3A_297, %add3A_298 : i32
        %get3A_300 = arith.index_cast %add3A_299 : i32 to index
        %get3A_301 = arith.constant 0 : index
        %get3A_302 = tpu.vector_load %arg11[%get3A_300, %get3A_301] {strides = array<i32>} : memref<200x16xf32, #tpu.memory_space<vmem>>, vector<1x16xf32>,
        %get3A_303 = vector.shape_cast %get3A_302 : vector<1x16xf32> to vector<16xf32>
        %add3A_304 = arith.addf %scan3A_295, %get3A_303 : vector<16xf32>
        %add3A_305 = arith.constant 1 : i32
        %add3A_306 = arith.addi %mul3A_297, %add3A_305 : i32
        %get3A_307 = arith.index_cast %add3A_306 : i32 to index
        %get3A_308 = arith.constant 0 : index
        %get3A_309 = tpu.vector_load %arg11[%get3A_307, %get3A_308] {strides = array<i32>} : memref<200x16xf32, #tpu.memory_space<vmem>>, vector<1x16xf32>,
        %get3A_310 = vector.shape_cast %get3A_309 : vector<1x16xf32> to vector<16xf32>
        %add3A_311 = arith.addf %add3A_304, %get3A_310 : vector<16xf32>
        %add3A_312 = arith.constant 2 : i32
        %add3A_313 = arith.addi %mul3A_297, %add3A_312 : i32
        %get3A_314 = arith.index_cast %add3A_313 : i32 to index
        %get3A_315 = arith.constant 0 : index
        %get3A_316 = tpu.vector_load %arg11[%get3A_314, %get3A_315] {strides = array<i32>} : memref<200x16xf32, #tpu.memory_space<vmem>>, vector<1x16xf32>,
        %get3A_317 = vector.shape_cast %get3A_316 : vector<1x16xf32> to vector<16xf32>
        %add3A_318 = arith.addf %add3A_311, %get3A_317 : vector<16xf32>
        %add3A_319 = arith.constant 3 : i32
        %add3A_320 = arith.addi %mul3A_297, %add3A_319 : i32
        %get3A_321 = arith.index_cast %add3A_320 : i32 to index
        %get3A_322 = arith.constant 0 : index
        %get3A_323 = tpu.vector_load %arg11[%get3A_321, %get3A_322] {strides = array<i32>} : memref<200x16xf32, #tpu.memory_space<vmem>>, vector<1x16xf32>,
        %get3A_324 = vector.shape_cast %get3A_323 : vector<1x16xf32> to vector<16xf32>
        %add3A_325 = arith.addf %add3A_318, %get3A_324 : vector<16xf32>
        %add3A_326 = arith.constant 4 : i32
        %add3A_327 = arith.addi %mul3A_297, %add3A_326 : i32
        %get3A_328 = arith.index_cast %add3A_327 : i32 to index
        %get3A_329 = arith.constant 0 : index
        %get3A_330 = tpu.vector_load %arg11[%get3A_328, %get3A_329] {strides = array<i32>} : memref<200x16xf32, #tpu.memory_space<vmem>>, vector<1x16xf32>,
        %get3A_331 = vector.shape_cast %get3A_330 : vector<1x16xf32> to vector<16xf32>
        %add3A_332 = arith.addf %add3A_325, %get3A_331 : vector<16xf32>
        %add3A_333 = arith.constant 5 : i32
        %add3A_334 = arith.addi %mul3A_297, %add3A_333 : i32
        %get3A_335 = arith.index_cast %add3A_334 : i32 to index
        %get3A_336 = arith.constant 0 : index
        %get3A_337 = tpu.vector_load %arg11[%get3A_335, %get3A_336] {strides = array<i32>} : memref<200x16xf32, #tpu.memory_space<vmem>>, vector<1x16xf32>,
        %get3A_338 = vector.shape_cast %get3A_337 : vector<1x16xf32> to vector<16xf32>
        %add3A_339 = arith.addf %add3A_332, %get3A_338 : vector<16xf32>
        %add3A_340 = arith.constant 6 : i32
        %add3A_341 = arith.addi %mul3A_297, %add3A_340 : i32
        %get3A_342 = arith.index_cast %add3A_341 : i32 to index
        %get3A_343 = arith.constant 0 : index
        %get3A_344 = tpu.vector_load %arg11[%get3A_342, %get3A_343] {strides = array<i32>} : memref<200x16xf32, #tpu.memory_space<vmem>>, vector<1x16xf32>,
        %get3A_345 = vector.shape_cast %get3A_344 : vector<1x16xf32> to vector<16xf32>
        %add3A_346 = arith.addf %add3A_339, %get3A_345 : vector<16xf32>
        %add3A_347 = arith.constant 7 : i32
        %add3A_348 = arith.addi %mul3A_297, %add3A_347 : i32
        %get3A_349 = arith.index_cast %add3A_348 : i32 to index
        %get3A_350 = arith.constant 0 : index
        %get3A_351 = tpu.vector_load %arg11[%get3A_349, %get3A_350] {strides = array<i32>} : memref<200x16xf32, #tpu.memory_space<vmem>>, vector<1x16xf32>,
        %get3A_352 = vector.shape_cast %get3A_351 : vector<1x16xf32> to vector<16xf32>
        %add3A_353 = arith.addf %add3A_346, %get3A_352 : vector<16xf32>
        scf.yield %add3A_353 : vector<16xf32>
      }
      %scan3A_193 = arith.constant 25 : i32
      %add3A_194 = arith.addf %scan3A_192, %get3A_59 : vector<16xf32>
      %swap3A_195 = arith.index_cast %add3A_179 : i32 to index
      %swap3A_196 = arith.constant 0 : index
      %swap3A_197 = tpu.vector_load %arg15[%swap3A_195, %swap3A_196] {strides = array<i32>} : memref<128x16xf32, #tpu.memory_space<vmem>>, vector<1x16xf32>,
      %swap3A_198 = vector.shape_cast %swap3A_197 : vector<1x16xf32> to vector<16xf32>
      %swap3A_199 = vector.shape_cast %add3A_194 : vector<16xf32> to vector<1x16xf32>
      tpu.vector_store %arg15[%swap3A_195, %swap3A_196], %swap3A_199 {strides = array<i32>} : memref<128x16xf32, #tpu.memory_space<vmem>>, vector<1x16xf32>,
      %add3A_200 = arith.constant 8 : i32
      %add3A_201 = arith.addi %add3A_179, %add3A_200 : i32
      %lt3A_202 = arith.constant 128 : i32
      %lt3A_203 = arith.cmpi slt, %add3A_201, %lt3A_202 : i32
      %convert_element_type3A_204 = arith.extui %lt3A_203 : i1 to i32
      %cond3A_205 = arith.constant 0 : i32
      %cond3A_206 = arith.cmpi ne, %convert_element_type3A_204, %cond3A_205 : i32
      scf.if %cond3A_206 {
        %add3A_294 = arith.constant 8 : i32
        %add3A_295 = arith.addi %add3A_179, %add3A_294 : i32
        %dma_start3A_296 = arith.constant 0 : i32
        %dma_start3A_297 = tpu.memref_slice %arg6[%add3A_295, %dma_start3A_296] : memref<128x200xi32, #tpu.memory_space<vmem>> -> memref<1x200xi32, #tpu.memory_space<vmem>>
        %dma_start3A_298 = tpu.memref_squeeze %dma_start3A_297 : memref<1x200xi32, #tpu.memory_space<vmem>> -> memref<200xi32, #tpu.memory_space<vmem>>
        %dma_start3A_299 = arith.constant 0 : i32
        %dma_start3A_300 = arith.constant 0 : i32
        %dma_start3A_301 = tpu.memref_slice %arg3[%dma_start3A_299, %dma_start3A_300] : memref<1048576x16xf32, #tpu.memory_space<hbm>> -> memref<1048576x16xf32, #tpu.memory_space<hbm>>
        tpu.enqueue_indirect_dma source(%dma_start3A_301 : memref<1048576x16xf32, #tpu.memory_space<hbm>>) target(%arg11 : memref<200x16xf32, #tpu.memory_space<vmem>>) offsets(%dma_start3A_298 : memref<200xi32, #tpu.memory_space<vmem>>) semaphore(%arg21 : memref<!tpu.dma_semaphore, #tpu.memory_space<semaphore_mem>>)
      } else {
      }
      %add3A_207 = arith.constant 5 : i32
      %add3A_208 = arith.addi %mul3A_67, %add3A_207 : i32
      %dma_wait3A_209 = arith.constant 0 : i32
      %dma_wait3A_210 = arith.constant 0 : i32
      %dma_wait3A_211 = tpu.memref_slice %arg3[%dma_wait3A_209, %dma_wait3A_210] : memref<1048576x16xf32, #tpu.memory_space<hbm>> -> memref<200x16xf32, #tpu.memory_space<hbm>>
      %dma_wait3A_212 = arith.constant 0 : i32
      %dma_wait3A_213 = arith.constant 0 : i32
      %dma_wait3A_214 = tpu.memref_slice %arg3[%dma_wait3A_212, %dma_wait3A_213] : memref<1048576x16xf32, #tpu.memory_space<hbm>> -> memref<200x16xf32, #tpu.memory_space<hbm>>
      tpu.wait_dma2 semaphore(%arg22 : memref<!tpu.dma_semaphore, #tpu.memory_space<semaphore_mem>>) src(%dma_wait3A_214 : memref<200x16xf32, #tpu.memory_space<hbm>>) dst(%arg12 : memref<200x16xf32, #tpu.memory_space<vmem>>)
      %broadcast_in_dim3A_215 = arith.constant 0.000000e+00 : f32
      %broadcast_in_dim3A_216 = vector.broadcast %broadcast_in_dim3A_215 : f32 to vector<16xf32>
      %scan3A_217 = arith.constant 0 : i32
      %scan3A_218 = arith.constant 25 : i32
      %scan3A_219 = arith.addi %scan3A_217, %scan3A_218 : i32
      %scan3A_220 = arith.constant 1 : i32
      %scan3A_221 = scf.for %scan3A_294 = %scan3A_217 to %scan3A_219 step %scan3A_220 iter_args(%scan3A_295 = %broadcast_in_dim3A_216) -> (vector<16xf32>)  : i32 {
        %mul3A_296 = arith.constant 8 : i32
        %mul3A_297 = arith.muli %scan3A_294, %mul3A_296 : i32
        %add3A_298 = arith.constant 0 : i32
        %add3A_299 = arith.addi %mul3A_297, %add3A_298 : i32
        %get3A_300 = arith.index_cast %add3A_299 : i32 to index
        %get3A_301 = arith.constant 0 : index
        %get3A_302 = tpu.vector_load %arg12[%get3A_300, %get3A_301] {strides = array<i32>} : memref<200x16xf32, #tpu.memory_space<vmem>>, vector<1x16xf32>,
        %get3A_303 = vector.shape_cast %get3A_302 : vector<1x16xf32> to vector<16xf32>
        %add3A_304 = arith.addf %scan3A_295, %get3A_303 : vector<16xf32>
        %add3A_305 = arith.constant 1 : i32
        %add3A_306 = arith.addi %mul3A_297, %add3A_305 : i32
        %get3A_307 = arith.index_cast %add3A_306 : i32 to index
        %get3A_308 = arith.constant 0 : index
        %get3A_309 = tpu.vector_load %arg12[%get3A_307, %get3A_308] {strides = array<i32>} : memref<200x16xf32, #tpu.memory_space<vmem>>, vector<1x16xf32>,
        %get3A_310 = vector.shape_cast %get3A_309 : vector<1x16xf32> to vector<16xf32>
        %add3A_311 = arith.addf %add3A_304, %get3A_310 : vector<16xf32>
        %add3A_312 = arith.constant 2 : i32
        %add3A_313 = arith.addi %mul3A_297, %add3A_312 : i32
        %get3A_314 = arith.index_cast %add3A_313 : i32 to index
        %get3A_315 = arith.constant 0 : index
        %get3A_316 = tpu.vector_load %arg12[%get3A_314, %get3A_315] {strides = array<i32>} : memref<200x16xf32, #tpu.memory_space<vmem>>, vector<1x16xf32>,
        %get3A_317 = vector.shape_cast %get3A_316 : vector<1x16xf32> to vector<16xf32>
        %add3A_318 = arith.addf %add3A_311, %get3A_317 : vector<16xf32>
        %add3A_319 = arith.constant 3 : i32
        %add3A_320 = arith.addi %mul3A_297, %add3A_319 : i32
        %get3A_321 = arith.index_cast %add3A_320 : i32 to index
        %get3A_322 = arith.constant 0 : index
        %get3A_323 = tpu.vector_load %arg12[%get3A_321, %get3A_322] {strides = array<i32>} : memref<200x16xf32, #tpu.memory_space<vmem>>, vector<1x16xf32>,
        %get3A_324 = vector.shape_cast %get3A_323 : vector<1x16xf32> to vector<16xf32>
        %add3A_325 = arith.addf %add3A_318, %get3A_324 : vector<16xf32>
        %add3A_326 = arith.constant 4 : i32
        %add3A_327 = arith.addi %mul3A_297, %add3A_326 : i32
        %get3A_328 = arith.index_cast %add3A_327 : i32 to index
        %get3A_329 = arith.constant 0 : index
        %get3A_330 = tpu.vector_load %arg12[%get3A_328, %get3A_329] {strides = array<i32>} : memref<200x16xf32, #tpu.memory_space<vmem>>, vector<1x16xf32>,
        %get3A_331 = vector.shape_cast %get3A_330 : vector<1x16xf32> to vector<16xf32>
        %add3A_332 = arith.addf %add3A_325, %get3A_331 : vector<16xf32>
        %add3A_333 = arith.constant 5 : i32
        %add3A_334 = arith.addi %mul3A_297, %add3A_333 : i32
        %get3A_335 = arith.index_cast %add3A_334 : i32 to index
        %get3A_336 = arith.constant 0 : index
        %get3A_337 = tpu.vector_load %arg12[%get3A_335, %get3A_336] {strides = array<i32>} : memref<200x16xf32, #tpu.memory_space<vmem>>, vector<1x16xf32>,
        %get3A_338 = vector.shape_cast %get3A_337 : vector<1x16xf32> to vector<16xf32>
        %add3A_339 = arith.addf %add3A_332, %get3A_338 : vector<16xf32>
        %add3A_340 = arith.constant 6 : i32
        %add3A_341 = arith.addi %mul3A_297, %add3A_340 : i32
        %get3A_342 = arith.index_cast %add3A_341 : i32 to index
        %get3A_343 = arith.constant 0 : index
        %get3A_344 = tpu.vector_load %arg12[%get3A_342, %get3A_343] {strides = array<i32>} : memref<200x16xf32, #tpu.memory_space<vmem>>, vector<1x16xf32>,
        %get3A_345 = vector.shape_cast %get3A_344 : vector<1x16xf32> to vector<16xf32>
        %add3A_346 = arith.addf %add3A_339, %get3A_345 : vector<16xf32>
        %add3A_347 = arith.constant 7 : i32
        %add3A_348 = arith.addi %mul3A_297, %add3A_347 : i32
        %get3A_349 = arith.index_cast %add3A_348 : i32 to index
        %get3A_350 = arith.constant 0 : index
        %get3A_351 = tpu.vector_load %arg12[%get3A_349, %get3A_350] {strides = array<i32>} : memref<200x16xf32, #tpu.memory_space<vmem>>, vector<1x16xf32>,
        %get3A_352 = vector.shape_cast %get3A_351 : vector<1x16xf32> to vector<16xf32>
        %add3A_353 = arith.addf %add3A_346, %get3A_352 : vector<16xf32>
        scf.yield %add3A_353 : vector<16xf32>
      }
      %scan3A_222 = arith.constant 25 : i32
      %add3A_223 = arith.addf %scan3A_221, %get3A_59 : vector<16xf32>
      %swap3A_224 = arith.index_cast %add3A_208 : i32 to index
      %swap3A_225 = arith.constant 0 : index
      %swap3A_226 = tpu.vector_load %arg15[%swap3A_224, %swap3A_225] {strides = array<i32>} : memref<128x16xf32, #tpu.memory_space<vmem>>, vector<1x16xf32>,
      %swap3A_227 = vector.shape_cast %swap3A_226 : vector<1x16xf32> to vector<16xf32>
      %swap3A_228 = vector.shape_cast %add3A_223 : vector<16xf32> to vector<1x16xf32>
      tpu.vector_store %arg15[%swap3A_224, %swap3A_225], %swap3A_228 {strides = array<i32>} : memref<128x16xf32, #tpu.memory_space<vmem>>, vector<1x16xf32>,
      %add3A_229 = arith.constant 8 : i32
      %add3A_230 = arith.addi %add3A_208, %add3A_229 : i32
      %lt3A_231 = arith.constant 128 : i32
      %lt3A_232 = arith.cmpi slt, %add3A_230, %lt3A_231 : i32
      %convert_element_type3A_233 = arith.extui %lt3A_232 : i1 to i32
      %cond3A_234 = arith.constant 0 : i32
      %cond3A_235 = arith.cmpi ne, %convert_element_type3A_233, %cond3A_234 : i32
      scf.if %cond3A_235 {
        %add3A_294 = arith.constant 8 : i32
        %add3A_295 = arith.addi %add3A_208, %add3A_294 : i32
        %dma_start3A_296 = arith.constant 0 : i32
        %dma_start3A_297 = tpu.memref_slice %arg6[%add3A_295, %dma_start3A_296] : memref<128x200xi32, #tpu.memory_space<vmem>> -> memref<1x200xi32, #tpu.memory_space<vmem>>
        %dma_start3A_298 = tpu.memref_squeeze %dma_start3A_297 : memref<1x200xi32, #tpu.memory_space<vmem>> -> memref<200xi32, #tpu.memory_space<vmem>>
        %dma_start3A_299 = arith.constant 0 : i32
        %dma_start3A_300 = arith.constant 0 : i32
        %dma_start3A_301 = tpu.memref_slice %arg3[%dma_start3A_299, %dma_start3A_300] : memref<1048576x16xf32, #tpu.memory_space<hbm>> -> memref<1048576x16xf32, #tpu.memory_space<hbm>>
        tpu.enqueue_indirect_dma source(%dma_start3A_301 : memref<1048576x16xf32, #tpu.memory_space<hbm>>) target(%arg12 : memref<200x16xf32, #tpu.memory_space<vmem>>) offsets(%dma_start3A_298 : memref<200xi32, #tpu.memory_space<vmem>>) semaphore(%arg22 : memref<!tpu.dma_semaphore, #tpu.memory_space<semaphore_mem>>)
      } else {
      }
      %add3A_236 = arith.constant 6 : i32
      %add3A_237 = arith.addi %mul3A_67, %add3A_236 : i32
      %dma_wait3A_238 = arith.constant 0 : i32
      %dma_wait3A_239 = arith.constant 0 : i32
      %dma_wait3A_240 = tpu.memref_slice %arg3[%dma_wait3A_238, %dma_wait3A_239] : memref<1048576x16xf32, #tpu.memory_space<hbm>> -> memref<200x16xf32, #tpu.memory_space<hbm>>
      %dma_wait3A_241 = arith.constant 0 : i32
      %dma_wait3A_242 = arith.constant 0 : i32
      %dma_wait3A_243 = tpu.memref_slice %arg3[%dma_wait3A_241, %dma_wait3A_242] : memref<1048576x16xf32, #tpu.memory_space<hbm>> -> memref<200x16xf32, #tpu.memory_space<hbm>>
      tpu.wait_dma2 semaphore(%arg23 : memref<!tpu.dma_semaphore, #tpu.memory_space<semaphore_mem>>) src(%dma_wait3A_243 : memref<200x16xf32, #tpu.memory_space<hbm>>) dst(%arg13 : memref<200x16xf32, #tpu.memory_space<vmem>>)
      %broadcast_in_dim3A_244 = arith.constant 0.000000e+00 : f32
      %broadcast_in_dim3A_245 = vector.broadcast %broadcast_in_dim3A_244 : f32 to vector<16xf32>
      %scan3A_246 = arith.constant 0 : i32
      %scan3A_247 = arith.constant 25 : i32
      %scan3A_248 = arith.addi %scan3A_246, %scan3A_247 : i32
      %scan3A_249 = arith.constant 1 : i32
      %scan3A_250 = scf.for %scan3A_294 = %scan3A_246 to %scan3A_248 step %scan3A_249 iter_args(%scan3A_295 = %broadcast_in_dim3A_245) -> (vector<16xf32>)  : i32 {
        %mul3A_296 = arith.constant 8 : i32
        %mul3A_297 = arith.muli %scan3A_294, %mul3A_296 : i32
        %add3A_298 = arith.constant 0 : i32
        %add3A_299 = arith.addi %mul3A_297, %add3A_298 : i32
        %get3A_300 = arith.index_cast %add3A_299 : i32 to index
        %get3A_301 = arith.constant 0 : index
        %get3A_302 = tpu.vector_load %arg13[%get3A_300, %get3A_301] {strides = array<i32>} : memref<200x16xf32, #tpu.memory_space<vmem>>, vector<1x16xf32>,
        %get3A_303 = vector.shape_cast %get3A_302 : vector<1x16xf32> to vector<16xf32>
        %add3A_304 = arith.addf %scan3A_295, %get3A_303 : vector<16xf32>
        %add3A_305 = arith.constant 1 : i32
        %add3A_306 = arith.addi %mul3A_297, %add3A_305 : i32
        %get3A_307 = arith.index_cast %add3A_306 : i32 to index
        %get3A_308 = arith.constant 0 : index
        %get3A_309 = tpu.vector_load %arg13[%get3A_307, %get3A_308] {strides = array<i32>} : memref<200x16xf32, #tpu.memory_space<vmem>>, vector<1x16xf32>,
        %get3A_310 = vector.shape_cast %get3A_309 : vector<1x16xf32> to vector<16xf32>
        %add3A_311 = arith.addf %add3A_304, %get3A_310 : vector<16xf32>
        %add3A_312 = arith.constant 2 : i32
        %add3A_313 = arith.addi %mul3A_297, %add3A_312 : i32
        %get3A_314 = arith.index_cast %add3A_313 : i32 to index
        %get3A_315 = arith.constant 0 : index
        %get3A_316 = tpu.vector_load %arg13[%get3A_314, %get3A_315] {strides = array<i32>} : memref<200x16xf32, #tpu.memory_space<vmem>>, vector<1x16xf32>,
        %get3A_317 = vector.shape_cast %get3A_316 : vector<1x16xf32> to vector<16xf32>
        %add3A_318 = arith.addf %add3A_311, %get3A_317 : vector<16xf32>
        %add3A_319 = arith.constant 3 : i32
        %add3A_320 = arith.addi %mul3A_297, %add3A_319 : i32
        %get3A_321 = arith.index_cast %add3A_320 : i32 to index
        %get3A_322 = arith.constant 0 : index
        %get3A_323 = tpu.vector_load %arg13[%get3A_321, %get3A_322] {strides = array<i32>} : memref<200x16xf32, #tpu.memory_space<vmem>>, vector<1x16xf32>,
        %get3A_324 = vector.shape_cast %get3A_323 : vector<1x16xf32> to vector<16xf32>
        %add3A_325 = arith.addf %add3A_318, %get3A_324 : vector<16xf32>
        %add3A_326 = arith.constant 4 : i32
        %add3A_327 = arith.addi %mul3A_297, %add3A_326 : i32
        %get3A_328 = arith.index_cast %add3A_327 : i32 to index
        %get3A_329 = arith.constant 0 : index
        %get3A_330 = tpu.vector_load %arg13[%get3A_328, %get3A_329] {strides = array<i32>} : memref<200x16xf32, #tpu.memory_space<vmem>>, vector<1x16xf32>,
        %get3A_331 = vector.shape_cast %get3A_330 : vector<1x16xf32> to vector<16xf32>
        %add3A_332 = arith.addf %add3A_325, %get3A_331 : vector<16xf32>
        %add3A_333 = arith.constant 5 : i32
        %add3A_334 = arith.addi %mul3A_297, %add3A_333 : i32
        %get3A_335 = arith.index_cast %add3A_334 : i32 to index
        %get3A_336 = arith.constant 0 : index
        %get3A_337 = tpu.vector_load %arg13[%get3A_335, %get3A_336] {strides = array<i32>} : memref<200x16xf32, #tpu.memory_space<vmem>>, vector<1x16xf32>,
        %get3A_338 = vector.shape_cast %get3A_337 : vector<1x16xf32> to vector<16xf32>
        %add3A_339 = arith.addf %add3A_332, %get3A_338 : vector<16xf32>
        %add3A_340 = arith.constant 6 : i32
        %add3A_341 = arith.addi %mul3A_297, %add3A_340 : i32
        %get3A_342 = arith.index_cast %add3A_341 : i32 to index
        %get3A_343 = arith.constant 0 : index
        %get3A_344 = tpu.vector_load %arg13[%get3A_342, %get3A_343] {strides = array<i32>} : memref<200x16xf32, #tpu.memory_space<vmem>>, vector<1x16xf32>,
        %get3A_345 = vector.shape_cast %get3A_344 : vector<1x16xf32> to vector<16xf32>
        %add3A_346 = arith.addf %add3A_339, %get3A_345 : vector<16xf32>
        %add3A_347 = arith.constant 7 : i32
        %add3A_348 = arith.addi %mul3A_297, %add3A_347 : i32
        %get3A_349 = arith.index_cast %add3A_348 : i32 to index
        %get3A_350 = arith.constant 0 : index
        %get3A_351 = tpu.vector_load %arg13[%get3A_349, %get3A_350] {strides = array<i32>} : memref<200x16xf32, #tpu.memory_space<vmem>>, vector<1x16xf32>,
        %get3A_352 = vector.shape_cast %get3A_351 : vector<1x16xf32> to vector<16xf32>
        %add3A_353 = arith.addf %add3A_346, %get3A_352 : vector<16xf32>
        scf.yield %add3A_353 : vector<16xf32>
      }
      %scan3A_251 = arith.constant 25 : i32
      %add3A_252 = arith.addf %scan3A_250, %get3A_59 : vector<16xf32>
      %swap3A_253 = arith.index_cast %add3A_237 : i32 to index
      %swap3A_254 = arith.constant 0 : index
      %swap3A_255 = tpu.vector_load %arg15[%swap3A_253, %swap3A_254] {strides = array<i32>} : memref<128x16xf32, #tpu.memory_space<vmem>>, vector<1x16xf32>,
      %swap3A_256 = vector.shape_cast %swap3A_255 : vector<1x16xf32> to vector<16xf32>
      %swap3A_257 = vector.shape_cast %add3A_252 : vector<16xf32> to vector<1x16xf32>
      tpu.vector_store %arg15[%swap3A_253, %swap3A_254], %swap3A_257 {strides = array<i32>} : memref<128x16xf32, #tpu.memory_space<vmem>>, vector<1x16xf32>,
      %add3A_258 = arith.constant 8 : i32
      %add3A_259 = arith.addi %add3A_237, %add3A_258 : i32
      %lt3A_260 = arith.constant 128 : i32
      %lt3A_261 = arith.cmpi slt, %add3A_259, %lt3A_260 : i32
      %convert_element_type3A_262 = arith.extui %lt3A_261 : i1 to i32
      %cond3A_263 = arith.constant 0 : i32
      %cond3A_264 = arith.cmpi ne, %convert_element_type3A_262, %cond3A_263 : i32
      scf.if %cond3A_264 {
        %add3A_294 = arith.constant 8 : i32
        %add3A_295 = arith.addi %add3A_237, %add3A_294 : i32
        %dma_start3A_296 = arith.constant 0 : i32
        %dma_start3A_297 = tpu.memref_slice %arg6[%add3A_295, %dma_start3A_296] : memref<128x200xi32, #tpu.memory_space<vmem>> -> memref<1x200xi32, #tpu.memory_space<vmem>>
        %dma_start3A_298 = tpu.memref_squeeze %dma_start3A_297 : memref<1x200xi32, #tpu.memory_space<vmem>> -> memref<200xi32, #tpu.memory_space<vmem>>
        %dma_start3A_299 = arith.constant 0 : i32
        %dma_start3A_300 = arith.constant 0 : i32
        %dma_start3A_301 = tpu.memref_slice %arg3[%dma_start3A_299, %dma_start3A_300] : memref<1048576x16xf32, #tpu.memory_space<hbm>> -> memref<1048576x16xf32, #tpu.memory_space<hbm>>
        tpu.enqueue_indirect_dma source(%dma_start3A_301 : memref<1048576x16xf32, #tpu.memory_space<hbm>>) target(%arg13 : memref<200x16xf32, #tpu.memory_space<vmem>>) offsets(%dma_start3A_298 : memref<200xi32, #tpu.memory_space<vmem>>) semaphore(%arg23 : memref<!tpu.dma_semaphore, #tpu.memory_space<semaphore_mem>>)
      } else {
      }
      %add3A_265 = arith.constant 7 : i32
      %add3A_266 = arith.addi %mul3A_67, %add3A_265 : i32
      %dma_wait3A_267 = arith.constant 0 : i32
      %dma_wait3A_268 = arith.constant 0 : i32
      %dma_wait3A_269 = tpu.memref_slice %arg3[%dma_wait3A_267, %dma_wait3A_268] : memref<1048576x16xf32, #tpu.memory_space<hbm>> -> memref<200x16xf32, #tpu.memory_space<hbm>>
      %dma_wait3A_270 = arith.constant 0 : i32
      %dma_wait3A_271 = arith.constant 0 : i32
      %dma_wait3A_272 = tpu.memref_slice %arg3[%dma_wait3A_270, %dma_wait3A_271] : memref<1048576x16xf32, #tpu.memory_space<hbm>> -> memref<200x16xf32, #tpu.memory_space<hbm>>
      tpu.wait_dma2 semaphore(%arg24 : memref<!tpu.dma_semaphore, #tpu.memory_space<semaphore_mem>>) src(%dma_wait3A_272 : memref<200x16xf32, #tpu.memory_space<hbm>>) dst(%arg14 : memref<200x16xf32, #tpu.memory_space<vmem>>)
      %broadcast_in_dim3A_273 = arith.constant 0.000000e+00 : f32
      %broadcast_in_dim3A_274 = vector.broadcast %broadcast_in_dim3A_273 : f32 to vector<16xf32>
      %scan3A_275 = arith.constant 0 : i32
      %scan3A_276 = arith.constant 25 : i32
      %scan3A_277 = arith.addi %scan3A_275, %scan3A_276 : i32
      %scan3A_278 = arith.constant 1 : i32
      %scan3A_279 = scf.for %scan3A_294 = %scan3A_275 to %scan3A_277 step %scan3A_278 iter_args(%scan3A_295 = %broadcast_in_dim3A_274) -> (vector<16xf32>)  : i32 {
        %mul3A_296 = arith.constant 8 : i32
        %mul3A_297 = arith.muli %scan3A_294, %mul3A_296 : i32
        %add3A_298 = arith.constant 0 : i32
        %add3A_299 = arith.addi %mul3A_297, %add3A_298 : i32
        %get3A_300 = arith.index_cast %add3A_299 : i32 to index
        %get3A_301 = arith.constant 0 : index
        %get3A_302 = tpu.vector_load %arg14[%get3A_300, %get3A_301] {strides = array<i32>} : memref<200x16xf32, #tpu.memory_space<vmem>>, vector<1x16xf32>,
        %get3A_303 = vector.shape_cast %get3A_302 : vector<1x16xf32> to vector<16xf32>
        %add3A_304 = arith.addf %scan3A_295, %get3A_303 : vector<16xf32>
        %add3A_305 = arith.constant 1 : i32
        %add3A_306 = arith.addi %mul3A_297, %add3A_305 : i32
        %get3A_307 = arith.index_cast %add3A_306 : i32 to index
        %get3A_308 = arith.constant 0 : index
        %get3A_309 = tpu.vector_load %arg14[%get3A_307, %get3A_308] {strides = array<i32>} : memref<200x16xf32, #tpu.memory_space<vmem>>, vector<1x16xf32>,
        %get3A_310 = vector.shape_cast %get3A_309 : vector<1x16xf32> to vector<16xf32>
        %add3A_311 = arith.addf %add3A_304, %get3A_310 : vector<16xf32>
        %add3A_312 = arith.constant 2 : i32
        %add3A_313 = arith.addi %mul3A_297, %add3A_312 : i32
        %get3A_314 = arith.index_cast %add3A_313 : i32 to index
        %get3A_315 = arith.constant 0 : index
        %get3A_316 = tpu.vector_load %arg14[%get3A_314, %get3A_315] {strides = array<i32>} : memref<200x16xf32, #tpu.memory_space<vmem>>, vector<1x16xf32>,
        %get3A_317 = vector.shape_cast %get3A_316 : vector<1x16xf32> to vector<16xf32>
        %add3A_318 = arith.addf %add3A_311, %get3A_317 : vector<16xf32>
        %add3A_319 = arith.constant 3 : i32
        %add3A_320 = arith.addi %mul3A_297, %add3A_319 : i32
        %get3A_321 = arith.index_cast %add3A_320 : i32 to index
        %get3A_322 = arith.constant 0 : index
        %get3A_323 = tpu.vector_load %arg14[%get3A_321, %get3A_322] {strides = array<i32>} : memref<200x16xf32, #tpu.memory_space<vmem>>, vector<1x16xf32>,
        %get3A_324 = vector.shape_cast %get3A_323 : vector<1x16xf32> to vector<16xf32>
        %add3A_325 = arith.addf %add3A_318, %get3A_324 : vector<16xf32>
        %add3A_326 = arith.constant 4 : i32
        %add3A_327 = arith.addi %mul3A_297, %add3A_326 : i32
        %get3A_328 = arith.index_cast %add3A_327 : i32 to index
        %get3A_329 = arith.constant 0 : index
        %get3A_330 = tpu.vector_load %arg14[%get3A_328, %get3A_329] {strides = array<i32>} : memref<200x16xf32, #tpu.memory_space<vmem>>, vector<1x16xf32>,
        %get3A_331 = vector.shape_cast %get3A_330 : vector<1x16xf32> to vector<16xf32>
        %add3A_332 = arith.addf %add3A_325, %get3A_331 : vector<16xf32>
        %add3A_333 = arith.constant 5 : i32
        %add3A_334 = arith.addi %mul3A_297, %add3A_333 : i32
        %get3A_335 = arith.index_cast %add3A_334 : i32 to index
        %get3A_336 = arith.constant 0 : index
        %get3A_337 = tpu.vector_load %arg14[%get3A_335, %get3A_336] {strides = array<i32>} : memref<200x16xf32, #tpu.memory_space<vmem>>, vector<1x16xf32>,
        %get3A_338 = vector.shape_cast %get3A_337 : vector<1x16xf32> to vector<16xf32>
        %add3A_339 = arith.addf %add3A_332, %get3A_338 : vector<16xf32>
        %add3A_340 = arith.constant 6 : i32
        %add3A_341 = arith.addi %mul3A_297, %add3A_340 : i32
        %get3A_342 = arith.index_cast %add3A_341 : i32 to index
        %get3A_343 = arith.constant 0 : index
        %get3A_344 = tpu.vector_load %arg14[%get3A_342, %get3A_343] {strides = array<i32>} : memref<200x16xf32, #tpu.memory_space<vmem>>, vector<1x16xf32>,
        %get3A_345 = vector.shape_cast %get3A_344 : vector<1x16xf32> to vector<16xf32>
        %add3A_346 = arith.addf %add3A_339, %get3A_345 : vector<16xf32>
        %add3A_347 = arith.constant 7 : i32
        %add3A_348 = arith.addi %mul3A_297, %add3A_347 : i32
        %get3A_349 = arith.index_cast %add3A_348 : i32 to index
        %get3A_350 = arith.constant 0 : index
        %get3A_351 = tpu.vector_load %arg14[%get3A_349, %get3A_350] {strides = array<i32>} : memref<200x16xf32, #tpu.memory_space<vmem>>, vector<1x16xf32>,
        %get3A_352 = vector.shape_cast %get3A_351 : vector<1x16xf32> to vector<16xf32>
        %add3A_353 = arith.addf %add3A_346, %get3A_352 : vector<16xf32>
        scf.yield %add3A_353 : vector<16xf32>
      }
      %scan3A_280 = arith.constant 25 : i32
      %add3A_281 = arith.addf %scan3A_279, %get3A_59 : vector<16xf32>
      %swap3A_282 = arith.index_cast %add3A_266 : i32 to index
      %swap3A_283 = arith.constant 0 : index
      %swap3A_284 = tpu.vector_load %arg15[%swap3A_282, %swap3A_283] {strides = array<i32>} : memref<128x16xf32, #tpu.memory_space<vmem>>, vector<1x16xf32>,
      %swap3A_285 = vector.shape_cast %swap3A_284 : vector<1x16xf32> to vector<16xf32>
      %swap3A_286 = vector.shape_cast %add3A_281 : vector<16xf32> to vector<1x16xf32>
      tpu.vector_store %arg15[%swap3A_282, %swap3A_283], %swap3A_286 {strides = array<i32>} : memref<128x16xf32, #tpu.memory_space<vmem>>, vector<1x16xf32>,
      %add3A_287 = arith.constant 8 : i32
      %add3A_288 = arith.addi %add3A_266, %add3A_287 : i32
      %lt3A_289 = arith.constant 128 : i32
      %lt3A_290 = arith.cmpi slt, %add3A_288, %lt3A_289 : i32
      %convert_element_type3A_291 = arith.extui %lt3A_290 : i1 to i32
      %cond3A_292 = arith.constant 0 : i32
      %cond3A_293 = arith.cmpi ne, %convert_element_type3A_291, %cond3A_292 : i32
      scf.if %cond3A_293 {
        %add3A_294 = arith.constant 8 : i32
        %add3A_295 = arith.addi %add3A_266, %add3A_294 : i32
        %dma_start3A_296 = arith.constant 0 : i32
        %dma_start3A_297 = tpu.memref_slice %arg6[%add3A_295, %dma_start3A_296] : memref<128x200xi32, #tpu.memory_space<vmem>> -> memref<1x200xi32, #tpu.memory_space<vmem>>
        %dma_start3A_298 = tpu.memref_squeeze %dma_start3A_297 : memref<1x200xi32, #tpu.memory_space<vmem>> -> memref<200xi32, #tpu.memory_space<vmem>>
        %dma_start3A_299 = arith.constant 0 : i32
        %dma_start3A_300 = arith.constant 0 : i32
        %dma_start3A_301 = tpu.memref_slice %arg3[%dma_start3A_299, %dma_start3A_300] : memref<1048576x16xf32, #tpu.memory_space<hbm>> -> memref<1048576x16xf32, #tpu.memory_space<hbm>>
        tpu.enqueue_indirect_dma source(%dma_start3A_301 : memref<1048576x16xf32, #tpu.memory_space<hbm>>) target(%arg14 : memref<200x16xf32, #tpu.memory_space<vmem>>) offsets(%dma_start3A_298 : memref<200xi32, #tpu.memory_space<vmem>>) semaphore(%arg24 : memref<!tpu.dma_semaphore, #tpu.memory_space<semaphore_mem>>)
      } else {
      }
    }
    %scan3A_64 = arith.constant 16 : i32
    "tpu.region"() ({
      %run_scoped3A = tpu.sem_alloc : memref<!tpu.dma_semaphore, #tpu.memory_space<semaphore_mem>>
      %dma_start3A_65 = arith.constant 0 : i32
      %dma_start3A_66 = tpu.memref_slice %arg5[%mul3A_2, %dma_start3A_65] : memref<4096x16xf32, #tpu.memory_space<hbm>> -> memref<128x16xf32, #tpu.memory_space<hbm>>
      %dma_start3A_67 = arith.constant 0 : i32
      %dma_start3A_68 = tpu.memref_slice %arg5[%mul3A_2, %dma_start3A_67] : memref<4096x16xf32, #tpu.memory_space<hbm>> -> memref<128x16xf32, #tpu.memory_space<hbm>>
      tpu.enqueue_dma source(%arg15 : memref<128x16xf32, #tpu.memory_space<vmem>>) target(%dma_start3A_68 : memref<128x16xf32, #tpu.memory_space<hbm>>) target_semaphore(%run_scoped3A : memref<!tpu.dma_semaphore, #tpu.memory_space<semaphore_mem>>)
      %dma_wait3A = arith.constant 0 : i32
      %dma_wait3A_69 = tpu.memref_slice %arg5[%mul3A_2, %dma_wait3A] : memref<4096x16xf32, #tpu.memory_space<hbm>> -> memref<128x16xf32, #tpu.memory_space<hbm>>
      %dma_wait3A_70 = arith.constant 0 : i32
      %dma_wait3A_71 = tpu.memref_slice %arg5[%mul3A_2, %dma_wait3A_70] : memref<4096x16xf32, #tpu.memory_space<hbm>> -> memref<128x16xf32, #tpu.memory_space<hbm>>
      tpu.wait_dma2 semaphore(%run_scoped3A : memref<!tpu.dma_semaphore, #tpu.memory_space<semaphore_mem>>) src(%arg15 : memref<128x16xf32, #tpu.memory_space<vmem>>) dst(%dma_wait3A_71 : memref<128x16xf32, #tpu.memory_space<hbm>>)
      tpu.yield
    }) : () -> ()
    return
  }
}

module attributes {stable_mosaic.version = 14 : i64} {
  func.func @_project_kernel(%arg0: i32, %arg1: memref<512x128xbf16, #tpu.memory_space<vmem>>, %arg2: memref<64x65536xf32, #tpu.memory_space<vmem>>, %arg3: memref<8192x128xf32, #tpu.memory_space<vmem>>) attributes {dimension_semantics = [#tpu.dimension_semantics<arbitrary>], iteration_bounds = array<i64: 16>, scalar_prefetch = 0 : i64, scratch_operands = 0 : i64, tpu.core_type = #tpu.core_type<tc>, window_params = [{pipeline_mode = #tpu.pipeline_mode<synchronous>, transform_indices = @transform_0, window_bounds = array<i64: 512, 128>}, {transform_indices = @transform_1, window_bounds = array<i64: 64, 65536>}, {transform_indices = @transform_2, window_bounds = array<i64: 8192, 128>}]} {
    %get3A = arith.constant 0 : index
    %get3A_0 = arith.constant 0 : index
    %get3A_1 = vector.load %arg2[%get3A, %get3A_0] : memref<64x65536xf32, #tpu.memory_space<vmem>>, vector<64x8192xf32>
    %transpose3A = tpu.transpose %get3A_1, [1, 0] : vector<64x8192xf32> -> vector<8192x64xf32>
    %convert_element_type3A = arith.truncf %transpose3A : vector<8192x64xf32> to vector<8192x64xbf16>
    %get3A_2 = arith.constant 0 : index
    %get3A_3 = arith.constant 8192 : index
    %get3A_4 = vector.load %arg2[%get3A_2, %get3A_3] : memref<64x65536xf32, #tpu.memory_space<vmem>>, vector<64x8192xf32>
    %transpose3A_5 = tpu.transpose %get3A_4, [1, 0] : vector<64x8192xf32> -> vector<8192x64xf32>
    %convert_element_type3A_6 = arith.truncf %transpose3A_5 : vector<8192x64xf32> to vector<8192x64xbf16>
    %get3A_7 = arith.constant 0 : index
    %get3A_8 = arith.constant 16384 : index
    %get3A_9 = vector.load %arg2[%get3A_7, %get3A_8] : memref<64x65536xf32, #tpu.memory_space<vmem>>, vector<64x8192xf32>
    %transpose3A_10 = tpu.transpose %get3A_9, [1, 0] : vector<64x8192xf32> -> vector<8192x64xf32>
    %convert_element_type3A_11 = arith.truncf %transpose3A_10 : vector<8192x64xf32> to vector<8192x64xbf16>
    %get3A_12 = arith.constant 0 : index
    %get3A_13 = arith.constant 24576 : index
    %get3A_14 = vector.load %arg2[%get3A_12, %get3A_13] : memref<64x65536xf32, #tpu.memory_space<vmem>>, vector<64x8192xf32>
    %transpose3A_15 = tpu.transpose %get3A_14, [1, 0] : vector<64x8192xf32> -> vector<8192x64xf32>
    %convert_element_type3A_16 = arith.truncf %transpose3A_15 : vector<8192x64xf32> to vector<8192x64xbf16>
    %get3A_17 = arith.constant 0 : index
    %get3A_18 = arith.constant 32768 : index
    %get3A_19 = vector.load %arg2[%get3A_17, %get3A_18] : memref<64x65536xf32, #tpu.memory_space<vmem>>, vector<64x8192xf32>
    %transpose3A_20 = tpu.transpose %get3A_19, [1, 0] : vector<64x8192xf32> -> vector<8192x64xf32>
    %convert_element_type3A_21 = arith.truncf %transpose3A_20 : vector<8192x64xf32> to vector<8192x64xbf16>
    %get3A_22 = arith.constant 0 : index
    %get3A_23 = arith.constant 40960 : index
    %get3A_24 = vector.load %arg2[%get3A_22, %get3A_23] : memref<64x65536xf32, #tpu.memory_space<vmem>>, vector<64x8192xf32>
    %transpose3A_25 = tpu.transpose %get3A_24, [1, 0] : vector<64x8192xf32> -> vector<8192x64xf32>
    %convert_element_type3A_26 = arith.truncf %transpose3A_25 : vector<8192x64xf32> to vector<8192x64xbf16>
    %get3A_27 = arith.constant 0 : index
    %get3A_28 = arith.constant 49152 : index
    %get3A_29 = vector.load %arg2[%get3A_27, %get3A_28] : memref<64x65536xf32, #tpu.memory_space<vmem>>, vector<64x8192xf32>
    %transpose3A_30 = tpu.transpose %get3A_29, [1, 0] : vector<64x8192xf32> -> vector<8192x64xf32>
    %convert_element_type3A_31 = arith.truncf %transpose3A_30 : vector<8192x64xf32> to vector<8192x64xbf16>
    %get3A_32 = arith.constant 0 : index
    %get3A_33 = arith.constant 57344 : index
    %get3A_34 = vector.load %arg2[%get3A_32, %get3A_33] : memref<64x65536xf32, #tpu.memory_space<vmem>>, vector<64x8192xf32>
    %transpose3A_35 = tpu.transpose %get3A_34, [1, 0] : vector<64x8192xf32> -> vector<8192x64xf32>
    %convert_element_type3A_36 = arith.truncf %transpose3A_35 : vector<8192x64xf32> to vector<8192x64xbf16>
    %concatenate3A = tpu.concatenate %convert_element_type3A, %convert_element_type3A_6, %convert_element_type3A_11, %convert_element_type3A_16, %convert_element_type3A_21, %convert_element_type3A_26, %convert_element_type3A_31, %convert_element_type3A_36 in 1 : vector<8192x64xbf16>, vector<8192x64xbf16>, vector<8192x64xbf16>, vector<8192x64xbf16>, vector<8192x64xbf16>, vector<8192x64xbf16>, vector<8192x64xbf16>, vector<8192x64xbf16> -> vector<8192x512xbf16>
    %get3A_37 = arith.constant 0 : index
    %get3A_38 = arith.constant 0 : index
    %get3A_39 = vector.load %arg1[%get3A_37, %get3A_38] : memref<512x128xbf16, #tpu.memory_space<vmem>>, vector<512x128xbf16>
    %dot_general3A = arith.constant dense<0.000000e+00> : vector<8192x128xf32>
    %dot_general3A_40 = tpu.matmul %concatenate3A, %get3A_39, %dot_general3A {dimension_numbers = #tpu.dot_dimension_numbers<[1], [0], [0], [1], [0, 0, 1, 1], [], []>, transpose_lhs_hint = false} : vector<8192x512xbf16>, vector<512x128xbf16>, vector<8192x128xf32> -> vector<8192x128xf32>
    %swap3A = arith.constant 0 : index
    %swap3A_41 = arith.constant 0 : index
    %swap3A_42 = vector.load %arg3[%swap3A, %swap3A_41] : memref<8192x128xf32, #tpu.memory_space<vmem>>, vector<8192x128xf32>
    tpu.vector_store %arg3[%swap3A, %swap3A_41], %dot_general3A_40 {strides = array<i32>} : memref<8192x128xf32, #tpu.memory_space<vmem>>, vector<8192x128xf32>,
    return
  }
  func.func @transform_0(%arg0: i32) -> (i32, i32) {
    %c0_i32 = arith.constant 0 : i32
    %c0_i32_0 = arith.constant 0 : i32
    %c0_i32_1 = arith.constant 0 : i32
    return %c0_i32, %c0_i32_0 : i32, i32
  }
  func.func @transform_1(%arg0: i32) -> (i32, i32) {
    %c0_i32 = arith.constant 0 : i32
    %c0_i32_0 = arith.constant 0 : i32
    return %c0_i32, %arg0 : i32, i32
  }
  func.func @transform_2(%arg0: i32) -> (i32, i32) {
    %c0_i32 = arith.constant 0 : i32
    %c0_i32_0 = arith.constant 0 : i32
    return %arg0, %c0_i32 : i32, i32
  }
}

</mosaic_0001>

<sc_bundles>
// kernel: kernel.4.cloned.1.call-start
scs
__scs_entry_jumppad:
0x0: {  	(pc) =	sbr.rel $0x88, $3  }
0x1: {  	(tag) =	ssettag $0x0;
	lr =	simm.s32 $0x1  }
0x2: {  	[smem:$0x3F9D] =	sst lr;
	_ =	strace $0xD0000000  }
0x3: {  	_ = 	snop  }
0x4: {  	_ = 	snop  }
0x5: {  	_ = 	snop  }
0x6: {  	_ = 	snop  }
0x7: {  	_ = 	snop  }
__scs_overlays_trampoline_lowered:
0x8: {  	[smem:$0x3FAC] =	sst s0  }
0x9: {  	[smem:$0x3FAD] =	sst s1  }
0xa: {  	[smem:$0x3FAE] =	sst s2  }
0xb: {  	[smem:$0x3FAF] =	sst s3  }
0xc: {  	[smem:$0x3FB0] =	sst s4  }
0xd: {  	[smem:$0x3FB1] =	sst s5  }
0xe: {  	[smem:$0x3FB2] =	sst s6  }
0xf: {  	[smem:$0x3FB3] =	sst s7  }
0x10: {  	[smem:$0x3FB4] =	sst s8  }
0x11: {  	[smem:$0x3FB5] =	sst s9;
	s0 =	simm.s32 @!p0 $0x0  }
0x12: {  	s1 =	sld [smem:$0x3F9B];
	s0 =	simm.s32 @p0 $0x1  }
0x13: {  	[smem:$0x3FB6] =	sst s0;
	s0 =	simm.s32 @!p1 $0x0  }
0x14: {  	s2 =	sld [smem:$0x3F9A];
	s0 =	simm.s32 @p1 $0x1  }
0x15: {  	[smem:$0x3FB7] =	sst s0;
	s0 =	simm.s32 @!p2 $0x0  }
0x16: {  	s3 =	sld [smem:$0x3FDB];
	s0 =	simm.s32 @p2 $0x1  }
0x17: {  	s4 =	simm.s32 $0x1BF5;
	[smem:$0x3FB9] =	sst s0  }
0x18: {  	s0 =	sld [smem:$0x3F9C];
	_ =	swait.ge [sflag:s4], $0x0  }
0x19: {  	s7 =	sld [smem:$0x3F9D]  }
0x1a: {  	s8 =	sadd.s32 $0xFFFFE003, lr  }
0x1b: {  	s9 =	sadd.s32 $0xFFFFFEF7, lr;
	s5 =	simm.s32 $0xFFFFFFFF;
	p2 =	slt.u32 s8, $0xFFFFF086  }
0x1c: {  	p1 =	slt.u32 s9, $0xF7A;
	s5 =	simm.s32 @!p2 $0x0  }
0x1d: {  	s5 =	simm.s32 @p1 $0x1;
	p0 =	seq.s32 s7, s2  }
0x1e: {  	s7 =	smul.u32 @!p0 $0xF7A, s2;
	p2 =	seq.s32 @!p0 s5, $0x0  }
0x1f: {  	s9 =	smul.u32 $0xF7A, s1;
	s8 =	simm.s32 @!p0 $0x1BF5;
	p2 =	por !p2, p0  }
0x20: {  	[sflag:s8] =	ssyncset.s32 @!p0 $0xFFFFF086;
	s6 =	sadd.s32 @!p0 s3, s7;
	s7 =	simm.s32 @!p0 $0x108  }
0x21: {  	s3 =	sadd.s32 s3, s9;
	s6 =	sadd.s32 @!p0 $0x88, s6;
	s7 =	simm.s32 @p2 $0x1082  }
0x22: {  	[simem:s7], [sflag:s8] =	dma.local @!p0 [hbm:s6], $0xF7A  }
0x23: {  	s9 =	sor.u32 $0xD0000000, s2;
	s6 =	simm.s32 $0x108;
	_ =	swait.ge @!p0 [sflag:s8], $0x0  }
0x24: {  	s3 =	sadd.s32 $0x88, s3;
	s6 =	simm.s32 @!p1 $0x1082;
	[sflag:s4] =	ssyncset.s32 $0xFFFFF086  }
0x25: {  	[simem:s6], [sflag:s4] =	dma.local [hbm:s3], $0xF7A  }
0x26: {  	[smem:$0x3F9D] =	sst s1;
	(tag) =	ssettag s2;
	_ =	strace s9  }
0x27: {  	s1 =	sld [smem:$0x3FAD]  }
0x28: {  	s2 =	sld [smem:$0x3FAE]  }
0x29: {  	s4 =	sld [smem:$0x3FB0]  }
0x2a: {  	p0 =	seq.s32 s5, $0x0;
	s5 =	sld [smem:$0x3FB1]  }
0x2b: {  	s6 =	sld [smem:$0x3FB2]  }
0x2c: {  	s7 =	sld [smem:$0x3FB3]  }
0x2d: {  	s3 =	simm.s32 $0x108;
	s8 =	sld [smem:$0x3FB4]  }
0x2e: {  	s3 =	simm.s32 @!p0 $0x1082;
	s9 =	sld [smem:$0x3FB5]  }
0x2f: {  	lr =	sadd.s32 s0, s3;
	s0 =	sld [smem:$0x3FAC]  }
0x30: {  	s3 =	sld [smem:$0x3FAF]  }
0x31: {  	[smem:$0x3FB8] =	sst s10  }
0x32: {  	s10 =	sld [smem:$0x3FB6];
	_ =	sdelay $0x3  }
0x33: {  	p0 =	seq.s32 s10, $0x1;
	s10 =	sld [smem:$0x3FB8];
	_ =	sdelay $0x3  }
0x34: {  	[smem:$0x3FB8] =	sst s10  }
0x35: {  	s10 =	sld [smem:$0x3FB7];
	_ =	sdelay $0x3  }
0x36: {  	p1 =	seq.s32 s10, $0x1;
	s10 =	sld [smem:$0x3FB8];
	_ =	sdelay $0x3  }
0x37: {  	[smem:$0x3FB8] =	sst s10  }
0x38: {  	s10 =	sld [smem:$0x3FB9]  }
0x39: {  	_ = 	snop;
	(pc) =	sbr.ind lr, $3  }
0x3a: {  	_ = 	snop  }
0x3b: {  	_ = 	snop  }
0x3c: {  	p2 =	seq.s32 s10, $0x1;
	s10 =	sld [smem:$0x3FB8]  }
0x3d: {  	_ =	shalt  }
0x3e: {  	_ =	shalt  }
0x3f: {  	_ =	shalt  }
0x40: {  	_ =	shalt  }
0x41: {  	_ =	shalt  }
0x42: {  	_ =	shalt  }
0x43: {  	_ =	shalt  }
0x44: {  	_ =	shalt  }
0x45: {  	_ =	shalt  }
0x46: {  	_ =	shalt  }
0x47: {  	_ =	shalt  }
0x48: {  	_ =	shalt  }
0x49: {  	_ =	shalt  }
0x4a: {  	_ =	shalt  }
0x4b: {  	_ =	shalt  }
0x4c: {  	_ =	shalt  }
0x4d: {  	_ =	shalt  }
0x4e: {  	_ =	shalt  }
0x4f: {  	_ =	shalt  }
0x50: {  	_ =	shalt  }
0x51: {  	_ =	shalt  }
0x52: {  	_ =	shalt  }
0x53: {  	_ =	shalt  }
0x54: {  	_ =	shalt  }
0x55: {  	_ =	shalt  }
0x56: {  	_ =	shalt  }
0x57: {  	_ =	shalt  }
0x58: {  	_ =	shalt  }
0x59: {  	_ =	shalt  }
0x5a: {  	_ =	shalt  }
0x5b: {  	_ =	shalt  }
0x5c: {  	_ =	shalt  }
0x5d: {  	_ =	shalt  }
0x5e: {  	_ =	shalt  }
0x5f: {  	_ =	shalt  }
0x60: {  	_ =	shalt  }
0x61: {  	_ =	shalt  }
0x62: {  	_ =	shalt  }
0x63: {  	_ =	shalt  }
0x64: {  	_ =	shalt  }
0x65: {  	_ =	shalt  }
0x66: {  	_ =	shalt  }
0x67: {  	_ =	shalt  }
0x68: {  	_ =	shalt  }
0x69: {  	_ =	shalt  }
0x6a: {  	_ =	shalt  }
0x6b: {  	_ =	shalt  }
0x6c: {  	_ =	shalt  }
0x6d: {  	_ =	shalt  }
0x6e: {  	_ =	shalt  }
0x6f: {  	_ =	shalt  }
0x70: {  	_ =	shalt  }
0x71: {  	_ =	shalt  }
0x72: {  	_ =	shalt  }
0x73: {  	_ =	shalt  }
0x74: {  	_ =	shalt  }
0x75: {  	_ =	shalt  }
0x76: {  	_ =	shalt  }
0x77: {  	_ =	shalt  }
0x78: {  	_ =	shalt  }
0x79: {  	_ =	shalt  }
0x7a: {  	_ =	shalt  }
0x7b: {  	_ =	shalt  }
0x7c: {  	_ =	shalt  }
0x7d: {  	_ =	shalt  }
0x7e: {  	_ =	shalt  }
0x7f: {  	_ =	shalt  }
0x80: {  	_ =	shalt  }
0x81: {  	_ =	shalt  }
0x82: {  	_ =	shalt  }
0x83: {  	_ =	shalt  }
0x84: {  	_ =	shalt  }
0x85: {  	_ =	shalt  }
0x86: {  	_ =	shalt  }
0x87: {  	_ =	shalt  }
.Lfunc_end0:
.L_simem_size_0:
called_computation_lowered:
.L_overlay_start_0:
0x88: {  	s2 =	sld [smem:$0x3FD9]  }
0x89: {  	s3 =	sld [smem:$0x3FFE];
	_ =	sdelay $0x1  }
0x8a: {  	s1 =	srdreg.scid  }
0x8b: {  	s0 =	sand.u32 $0x1, s1  }
0x8c: {  	s17 =	sshll.u32 s0, $0xA;
	s2 =	sadd.s32 s3, s2  }
0x8d: {  	s2 =	sadd.s32 s2, s17  }
0x8e: {  	[smem:$0x3FC4] =	sst s2  }
0x8f: {  	_ = 	snop  }
0x90: {  	s2 =	sld [smem:$0x3FD0];
	(tm) =	ssettm $0x1  }
0x91: {  	s18 =	sld [smem:$0x3FFB];
	_ =	sdelay $0x3  }
0x92: {  	_ =	strace s18  }
0x93: {  	s3 =	sld [smem:$0x3FFC];
	_ =	sdelay $0x3  }
0x94: {  	_ =	strace s3  }
0x95: {  	s3 =	sld [smem:$0x3FFD];
	_ =	sdelay $0x3  }
0x96: {  	_ =	strace s3  }
0x97: {  	_ =	strace $0x8FFFFFFF  }
0x98: {  	s19 =	sld [smem:$0x3FDB];
	_ =	sdelay $0x1  }
0x99: {  	s4 =	simm.s32 $_scs_section_size  }
0x9a: {  	s5 =	simm.s32 $_size__tile_overlayer_lowered;
	s6 =	simm.s32 $_tile_overlayer_lowered  }
0x9b: {  	s22 =	simm.s32 $0x1BFF;
	s21 =	sshll.u32 s6, $0x1;
	s3 =	sadd.s32 s4, s19  }
0x9c: {  	s7 =	simm.s32 $0x0;
	s20 =	sshll.u32 s5, $0x1;
	s5 =	sadd.s32 s21, s3  }
0x9d: {  	[timem:s7], [sflag:s22] =	dma.local [hbm:s5], s20  }
0x9e: {  	_ =	swait.ge [sflag:s22], s20  }
0x9f: {  	s4 =	ssub.s32 $0x0, s20;
	[sflag:s22] =	ssyncset.done $0x0  }
0xa0: {  	[sflag:s22] =	ssyncadd.s32 s4;
	_ =	sdelay $0x1  }
0xa1: {  	s23 =	simm.s32 $0x1B8B  }
0xa2: {  	_ =	swait.ge [sflag:s23], $0x1  }
0xa3: {  	[sflag:s23] =	ssyncset.done $0x0  }
0xa4: {  	s25 =	simm.s32 $0x1B8E;
	s24 =	sld [smem:$0x3FFE];
	[sflag:s23] =	ssyncadd.s32 $0xFFFFFFFF  }
0xa5: {  	s26 =	simm.s32 $execute0_lowered;
	[smem:$0x3FD2] =	sst s25  }
0xa6: {  	s5 =	sshll.u32 s26, $0x1;
	_ =	strace $0x80000046;
	[dreg:$0x1] =	wrdreg $0xFFFFFFFF  }
0xa7: {  	s28 =	simm.s32 $_size_execute0_lowered;
	s3 =	sadd.s32 s3, s5;
	[dreg:$0x0] =	wrdreg $0x0  }
0xa8: {  	s5 =	sshll.u32 s28, $0x1;
	[dreg:$0x2] =	wrdreg s3  }
0xa9: {  	[dreg:$0x3] =	wrdreg s5  }
0xaa: {  	[dreg:$0x4] =	wrdreg $0xC0  }
0xab: {  	_ =	task [dreg:s7], $0x5FFFF  }
0xac: {  	[dreg:$0x1] =	wrdreg $0xFFFFFFFF  }
0xad: {  	[dreg:$0x0] =	wrdreg $0x60  }
0xae: {  	[dreg:$0x2] =	wrdreg s24  }
0xaf: {  	[dreg:$0x3] =	wrdreg s2  }
0xb0: {  	[dreg:$0x4] =	wrdreg $0x9  }
0xb1: {  	_ =	task.clear_ibuf [dreg:s7], $0x5FFFF;
	_ =	strace $0x90000046  }
0xb2: {  	s29 =	simm.s32 $0x9;
	_ =	strace $0x80000048  }
0xb3: {  	_ =	swait.ge [sflag:s29], $0x1  }
0xb4: {  	[sflag:s29] =	ssyncadd.s32 $0xFFFFFFFF  }
0xb5: {  	_ =	strace $0x90000048  }
0xb6: {  	_ =	sfence  }
0xb7: {  	s30 =	sld [smem:$0x0];
	_ =	sdelay $0x2  }
0xb8: {  	s31 =	sshll.u32 s1, $0xD;
	s1 =	sshrl.u32 s1, $0x2  }
0xb9: {  	s3 =	sand.u32 $0x4000, s31;
	s1 =	sadd.s32 s1, s30  }
0xba: {  	s0 =	sor.u32 s3, s0;
	s1 =	sshll.u32 s1, $0x11  }
0xbb: {  	s0 =	sor.u32 s1, s0  }
0xbc: {  	s0 =	sadd.s32 $0x8F2B, s0  }
0xbd: {  	[sflag:s0] =	ssyncadd.remote.s32 $0x1  }
0xbe: {  	_ =	sfence.sel $0xFFFF  }
0xbf: {  	[dreg:$0x0] =	wrdreg $0xFFFFFFFF;
	(pc) =	sbr.abs _section_cstart, $3  }
0xc0: {  	[dreg:$0x1] =	wrdreg $0xFFFFFFFF  }
0xc1: {  	_ =	task.clear_ibuf [dreg:s7], $0x2FFFF;
	_ =	strace $0x9FFFFFFF  }
0xc2: {  	(tm) =	ssettm $0x7FFFFFFF  }
0xc3: {  	_ =	shalt  }
tec
execute0_lowered:
.L_overlay_start_1:
0x0: {  	(tag) =	ssettag $0x1  }
0x1: {  	s0 =	srdreg.scid  }
0x2: {  	s1 =	rddreg [dreg:$0x0];
	s2 =	stileid.u32  }
0x3: {  	s3 =	simm.s32 $0x0;
	s8 =	simm.s32 $0x9;
	s10 =	simm.s32 $0xC8  }
0x4: {  	s17 =	simm.s32 $0x320;
	s18 =	simm.s32 $0x9600;
	s19 =	simm.s32 $0x3E8  }
0x5: {  	s20 =	simm.s32 $0xA280;
	s21 =	simm.s32 $0x4B0;
	s22 =	simm.s32 $0xAF00  }
0x6: {  	s23 =	simm.s32 $0x578;
	s24 =	simm.s32 $0xBB80;
	s25 =	simm.s32 $0x1  }
0x7: {  	s26 =	simm.s32 $0x2;
	s28 =	simm.s32 $0x3;
	s0 =	sand.u32 $0x1, s0  }
0x8: {  	s29 =	simm.s32 $0x4;
	s2 =	sshll.u32 s2, $0x8;
	s4 =	sshll.u32 s0, $0x7  }
0x9: {  	s30 =	simm.s32 $0x5;
	s31 =	simm.s32 $0x6;
	s2 =	sor.u32 s4, s2  }
0xa: {  	s9 =	simm.s32 $0x0;
	s0 =	ssub.s32 $0x2, s0;
	s4 =	smul.u32 $0x19, s2  }
.Ltmp0:
0xb: {  	[smem:$0x7FF] =	sst s3;
	s6 =	sshrl.u32 s0, $0x1;
	(pc) =	sbr.rel .LBB2_1-.Ltmp0, $4  }
0xc: {  	_ =	strace $0x80000047;
	s2 =	sshll.u32 s2, $0x1;
	s0 =	ssub.s32 s0, s6  }
0xd: {  	s7 =	smax.u32 s0, $0x1;
	s0 =	simm.s32 $0x8;
	s5 =	sadd.s32 s4, s1  }
0xe: {  	s4 =	sadd.s32 $0x1A600, s1;
	s1 =	sadd.s32 s2, s1;
	s2 =	simm.s32 $0xC800  }
0xf: {  	s5 =	sadd.s32 $0x1600, s5;
	s6 =	sadd.s32 $0x21A600, s1;
	s1 =	simm.s32 $0x7  }
.LBB2_20:
0x10: {  	s9 =	sadd.s32 $0x1, s9  }
0x11: {  	p0 =	sne.s32 s9, s7  }
.Ltmp1:
0x12: {  	_ = 	snop;
	(pc) =	sbr.rel @!p0 .LBB2_21-.Ltmp1, $4  }
0x13: {  	[hbm4b:s6+s3] =	stream.linear.scatter [tilespmem:s2], [sflag:$0x9], $0x800, $0x38;
	[tilespmem:$0xD010] =	vst v63  }
0x14: {  	_ =	swait.ge [sflag:s8], $0x800  }
0x15: {  	[sflag:s8] =	ssyncset.done $0x0  }
0x16: {  	[sflag:s8] =	ssyncadd.s32 $0xFFFFF800  }
.LBB2_1:
0x17: {  	[tilespmem:s3], [sflag:$0x9] =	stream.linear.gather [hbm4b:s5+s3], $0x6400, $0x38;
	[tilespmem:$0xD010] =	vst v63  }
0x18: {  	_ =	swait.ge [sflag:s8], $0x6400  }
0x19: {  	[sflag:s8] =	ssyncset.done $0x0  }
0x1a: {  	[sflag:s8] =	ssyncadd.s32 $0xFFFF9C00  }
0x1b: {  	s12 =	simm.s32 $0xD000;
	s11 =	rddreg [dreg:$0x1]  }
0x1c: {  	[tilespmem:s12], [sflag:$0x9] =	stream.linear.gather [hbm4b:s11+s3], $0x10, $0x38;
	[tilespmem:$0xD010] =	vst v63  }
0x1d: {  	_ =	swait.ge [sflag:s8], $0x10  }
0x1e: {  	[sflag:s8] =	ssyncset.done $0x0  }
0x1f: {  	s16 =	simm.s32 $0x6400;
	[sflag:s8] =	ssyncadd.s32 $0xFFFFFFF0  }
0x20: {  	[tilespmem:s16], [sflag:$0x1] =	stream.indirect.gather [hbm4b:s4+s10], $0x10, s3, s10, $0xb8;
	[tilespmem:$0xD010] =	vst v63  }
0x21: {  	s12 =	simm.s32 $0x7080  }
0x22: {  	[tilespmem:s12], [sflag:$0x2] =	stream.indirect.gather [hbm4b:s4+s10], $0x10, s10, s10, $0xb8;
	[tilespmem:$0xD010] =	vst v63  }
0x23: {  	s13 =	simm.s32 $0x190;
	s14 =	simm.s32 $0x7D00  }
0x24: {  	[tilespmem:s14], [sflag:$0x3] =	stream.indirect.gather [hbm4b:s4+s10], $0x10, s13, s10, $0xb8;
	[tilespmem:$0xD010] =	vst v63  }
0x25: {  	s15 =	simm.s32 $0x258;
	s16 =	simm.s32 $0x8980  }
0x26: {  	[tilespmem:s16], [sflag:$0x4] =	stream.indirect.gather [hbm4b:s4+s10], $0x10, s15, s10, $0xb8;
	[tilespmem:$0xD010] =	vst v63  }
0x27: {  	_ = 	snop  }
0x28: {  	[tilespmem:s18], [sflag:$0x5] =	stream.indirect.gather [hbm4b:s4+s10], $0x10, s17, s10, $0xb8;
	[tilespmem:$0xD010] =	vst v63  }
0x29: {  	_ = 	snop  }
0x2a: {  	[tilespmem:s20], [sflag:$0x6] =	stream.indirect.gather [hbm4b:s4+s10], $0x10, s19, s10, $0xb8;
	[tilespmem:$0xD010] =	vst v63  }
0x2b: {  	_ = 	snop  }
0x2c: {  	[tilespmem:s22], [sflag:$0x7] =	stream.indirect.gather [hbm4b:s4+s10], $0x10, s21, s10, $0xb8;
	[tilespmem:$0xD010] =	vst v63  }
0x2d: {  	_ = 	snop  }
0x2e: {  	[tilespmem:s24], [sflag:$0x8] =	stream.indirect.gather [hbm4b:s4+s10], $0x10, s23, s10, $0xb8;
	[tilespmem:$0xD010] =	vst v63  }
0x2f: {  	s11 =	simm.s32 $0x0;
	v0 =	vld [tilespmem:$0xD000]  }
.LBB2_2:
0x30: {  	_ =	swait.ge [sflag:s25], $0xC80  }
0x31: {  	[sflag:s25] =	ssyncset.done $0x0  }
0x32: {  	s12 =	simm.s32 $0x0;
	[sflag:s25] =	ssyncadd.s32 $0xFFFFF380  }
0x33: {  	v1 =	vld [tilespmem:s12+$0x6400];
	_ =	sdelay $0x1  }
0x34: {  	v2 =	vld [tilespmem:s12+$0x6410];
	_ =	sdelay $0x1  }
0x35: {  	v3 =	vimm.f32 $0.0e+00;
	v4 =	vld [tilespmem:s12+$0x6420]  }
0x36: {  	v1 =	vadd.f32 v1, v3  }
0x37: {  	v3 =	vld [tilespmem:s12+$0x6430]  }
0x38: {  	v1 =	vadd.f32 v2, v1  }
0x39: {  	v2 =	vld [tilespmem:s12+$0x6440]  }
0x3a: {  	v1 =	vadd.f32 v4, v1;
	_ =	sdelay $0x1  }
0x3b: {  	v4 =	vld [tilespmem:s12+$0x6450];
	v1 =	vadd.f32 v3, v1;
	_ =	sdelay $0x1  }
0x3c: {  	v3 =	vadd.f32 v2, v1;
	v2 =	vld [tilespmem:s12+$0x6460];
	_ =	sdelay $0x1  }
0x3d: {  	v1 =	vld [tilespmem:s12+$0x6470]  }
0x3e: {  	s13 =	simm.s32 $0x400;
	s12 =	simm.s32 $0x80;
	v3 =	vadd.f32 v4, v3  }
.LBB2_3:
0x3f: {  	p0 =	sne.s32 s13, $0x3000;
	v4 =	vld [tilespmem:s12+$0x6400]  }
0x40: {  	v2 =	vadd.f32 v2, v3  }
0x41: {  	v3 =	vld [tilespmem:s12+$0x6410]  }
0x42: {  	v1 =	vadd.f32 v1, v2  }
0x43: {  	v2 =	vld [tilespmem:s12+$0x6420]  }
0x44: {  	v1 =	vadd.f32 v4, v1  }
0x45: {  	v4 =	vld [tilespmem:s12+$0x6430]  }
0x46: {  	v1 =	vadd.f32 v3, v1  }
0x47: {  	v3 =	vld [tilespmem:s12+$0x6440]  }
0x48: {  	v1 =	vadd.f32 v2, v1  }
0x49: {  	v5 =	vld [tilespmem:s12+$0x6450]  }
.Ltmp2:
0x4a: {  	v1 =	vadd.f32 v4, v1;
	(pc) =	sbr.rel @p0 .LBB2_3-.Ltmp2, $4  }
0x4b: {  	v2 =	vld [tilespmem:s12+$0x6460]  }
0x4c: {  	v3 =	vadd.f32 v3, v1  }
0x4d: {  	v1 =	vld [tilespmem:s12+$0x6470]  }
0x4e: {  	s12 =	sshra.s32 s13, $0x2;
	s13 =	sadd.s32 $0x200, s13;
	v3 =	vadd.f32 v5, v3  }
0x4f: {  	v4 =	vld [tilespmem:s12+$0x6400]  }
0x50: {  	v2 =	vadd.f32 v2, v3  }
0x51: {  	v3 =	vld [tilespmem:s12+$0x6410]  }
0x52: {  	v1 =	vadd.f32 v1, v2  }
0x53: {  	v2 =	vld [tilespmem:s12+$0x6420]  }
0x54: {  	v1 =	vadd.f32 v4, v1  }
0x55: {  	v4 =	vld [tilespmem:s12+$0x6430]  }
0x56: {  	v1 =	vadd.f32 v3, v1  }
0x57: {  	v3 =	vld [tilespmem:s12+$0x6440]  }
0x58: {  	v1 =	vadd.f32 v2, v1  }
0x59: {  	v2 =	vld [tilespmem:s12+$0x6450]  }
0x5a: {  	v1 =	vadd.f32 v4, v1  }
0x5b: {  	v4 =	vld [tilespmem:s12+$0x6460]  }
0x5c: {  	v1 =	vadd.f32 v3, v1  }
0x5d: {  	v3 =	vld [tilespmem:s12+$0x6470]  }
0x5e: {  	v1 =	vadd.f32 v2, v1;
	_ =	sdelay $0x1  }
0x5f: {  	v1 =	vadd.f32 v4, v1;
	_ =	sdelay $0x1  }
0x60: {  	p0 =	seq.s32 s11, $0xF;
	v1 =	vadd.f32 v3, v1  }
0x61: {  	s13 =	smul.u32 @!p0 $0x1900, s11  }
0x62: {  	s15 =	sshll.u32 s11, $0x7;
	v1 =	vadd.f32 v1, v0  }
0x63: {  	s13 =	sshra.s32 @!p0 s13, $0x2;
	s12 =	sand.u32 $0x3FFFFF80, s15  }
0x64: {  	s16 =	simm.s32 @!p0 $0x6400;
	s14 =	sadd.s32 @!p0 $0x640, s13;
	s15 =	simm.s32 @!p0 $0xC8;
	[tilespmem:s12+$0xC800] =	vst v1  }
0x65: {  	[tilespmem:s16], [sflag:$0x1] =	stream.indirect.gather @!p0 [hbm4b:s4+s15], $0x10, s14, s15, $0xb8;
	[tilespmem:$0xD010] =	vst v63  }
0x66: {  	_ =	swait.ge [sflag:s26], $0xC80  }
0x67: {  	[sflag:s26] =	ssyncset.done $0x0  }
0x68: {  	s16 =	simm.s32 $0x0;
	[sflag:s26] =	ssyncadd.s32 $0xFFFFF380  }
0x69: {  	v1 =	vld [tilespmem:s16+$0x7080];
	_ =	sdelay $0x1  }
0x6a: {  	v2 =	vld [tilespmem:s16+$0x7090];
	_ =	sdelay $0x1  }
0x6b: {  	v3 =	vimm.f32 $0.0e+00;
	v4 =	vld [tilespmem:s16+$0x70A0]  }
0x6c: {  	v1 =	vadd.f32 v1, v3  }
0x6d: {  	v3 =	vld [tilespmem:s16+$0x70B0]  }
0x6e: {  	v1 =	vadd.f32 v2, v1  }
0x6f: {  	v2 =	vld [tilespmem:s16+$0x70C0]  }
0x70: {  	v1 =	vadd.f32 v4, v1;
	_ =	sdelay $0x1  }
0x71: {  	v4 =	vld [tilespmem:s16+$0x70D0];
	v1 =	vadd.f32 v3, v1;
	_ =	sdelay $0x1  }
0x72: {  	v3 =	vadd.f32 v2, v1;
	v2 =	vld [tilespmem:s16+$0x70E0];
	_ =	sdelay $0x1  }
0x73: {  	v1 =	vld [tilespmem:s16+$0x70F0]  }
0x74: {  	s14 =	simm.s32 $0x80;
	s15 =	simm.s32 $0x400;
	v3 =	vadd.f32 v4, v3  }
.LBB2_5:
0x75: {  	p1 =	sne.s32 s15, $0x3000;
	v4 =	vld [tilespmem:s14+$0x7080]  }
0x76: {  	v2 =	vadd.f32 v2, v3  }
0x77: {  	v3 =	vld [tilespmem:s14+$0x7090]  }
0x78: {  	v1 =	vadd.f32 v1, v2  }
0x79: {  	v2 =	vld [tilespmem:s14+$0x70A0]  }
0x7a: {  	v1 =	vadd.f32 v4, v1  }
0x7b: {  	v4 =	vld [tilespmem:s14+$0x70B0]  }
0x7c: {  	v1 =	vadd.f32 v3, v1  }
0x7d: {  	v3 =	vld [tilespmem:s14+$0x70C0]  }
0x7e: {  	v1 =	vadd.f32 v2, v1  }
0x7f: {  	v5 =	vld [tilespmem:s14+$0x70D0]  }
.Ltmp3:
0x80: {  	v1 =	vadd.f32 v4, v1;
	(pc) =	sbr.rel @p1 .LBB2_5-.Ltmp3, $4  }
0x81: {  	v2 =	vld [tilespmem:s14+$0x70E0]  }
0x82: {  	v3 =	vadd.f32 v3, v1  }
0x83: {  	v1 =	vld [tilespmem:s14+$0x70F0]  }
0x84: {  	s14 =	sshra.s32 s15, $0x2;
	s15 =	sadd.s32 $0x200, s15;
	v3 =	vadd.f32 v5, v3  }
0x85: {  	v4 =	vld [tilespmem:s14+$0x7080]  }
0x86: {  	v2 =	vadd.f32 v2, v3  }
0x87: {  	v3 =	vld [tilespmem:s14+$0x7090]  }
0x88: {  	v1 =	vadd.f32 v1, v2  }
0x89: {  	v2 =	vld [tilespmem:s14+$0x70A0]  }
0x8a: {  	v1 =	vadd.f32 v4, v1  }
0x8b: {  	v4 =	vld [tilespmem:s14+$0x70B0]  }
0x8c: {  	v1 =	vadd.f32 v3, v1  }
0x8d: {  	v3 =	vld [tilespmem:s14+$0x70C0]  }
0x8e: {  	v1 =	vadd.f32 v2, v1  }
0x8f: {  	v2 =	vld [tilespmem:s14+$0x70D0]  }
0x90: {  	v1 =	vadd.f32 v4, v1  }
0x91: {  	v4 =	vld [tilespmem:s14+$0x70E0]  }
0x92: {  	v1 =	vadd.f32 v3, v1  }
0x93: {  	v3 =	vld [tilespmem:s14+$0x70F0]  }
0x94: {  	v1 =	vadd.f32 v2, v1;
	_ =	sdelay $0x1  }
0x95: {  	v1 =	vadd.f32 v4, v1;
	_ =	sdelay $0x1  }
0x96: {  	v1 =	vadd.f32 v3, v1;
	_ =	sdelay $0x1  }
0x97: {  	v1 =	vadd.f32 v1, v0;
	_ =	sdelay $0x1  }
0x98: {  	s15 =	simm.s32 @!p0 $0xC8;
	s16 =	simm.s32 @!p0 $0x7080;
	s14 =	sadd.s32 @!p0 $0x708, s13;
	[tilespmem:s12+$0xC810] =	vst v1  }
0x99: {  	[tilespmem:s16], [sflag:$0x2] =	stream.indirect.gather @!p0 [hbm4b:s4+s15], $0x10, s14, s15, $0xb8;
	[tilespmem:$0xD010] =	vst v63  }
0x9a: {  	_ =	swait.ge [sflag:s28], $0xC80  }
0x9b: {  	[sflag:s28] =	ssyncset.done $0x0  }
0x9c: {  	s16 =	simm.s32 $0x0;
	[sflag:s28] =	ssyncadd.s32 $0xFFFFF380  }
0x9d: {  	v1 =	vld [tilespmem:s16+$0x7D00];
	_ =	sdelay $0x1  }
0x9e: {  	v2 =	vld [tilespmem:s16+$0x7D10];
	_ =	sdelay $0x1  }
0x9f: {  	v3 =	vimm.f32 $0.0e+00;
	v4 =	vld [tilespmem:s16+$0x7D20]  }
0xa0: {  	v1 =	vadd.f32 v1, v3  }
0xa1: {  	v3 =	vld [tilespmem:s16+$0x7D30]  }
0xa2: {  	v1 =	vadd.f32 v2, v1  }
0xa3: {  	v2 =	vld [tilespmem:s16+$0x7D40]  }
0xa4: {  	v1 =	vadd.f32 v4, v1;
	_ =	sdelay $0x1  }
0xa5: {  	v4 =	vld [tilespmem:s16+$0x7D50];
	v1 =	vadd.f32 v3, v1;
	_ =	sdelay $0x1  }
0xa6: {  	v3 =	vadd.f32 v2, v1;
	v2 =	vld [tilespmem:s16+$0x7D60];
	_ =	sdelay $0x1  }
0xa7: {  	v1 =	vld [tilespmem:s16+$0x7D70]  }
0xa8: {  	s14 =	simm.s32 $0x80;
	s15 =	simm.s32 $0x400;
	v3 =	vadd.f32 v4, v3  }
.LBB2_7:
0xa9: {  	p1 =	sne.s32 s15, $0x3000;
	v4 =	vld [tilespmem:s14+$0x7D00]  }
0xaa: {  	v2 =	vadd.f32 v2, v3  }
0xab: {  	v3 =	vld [tilespmem:s14+$0x7D10]  }
0xac: {  	v1 =	vadd.f32 v1, v2  }
0xad: {  	v2 =	vld [tilespmem:s14+$0x7D20]  }
0xae: {  	v1 =	vadd.f32 v4, v1  }
0xaf: {  	v4 =	vld [tilespmem:s14+$0x7D30]  }
0xb0: {  	v1 =	vadd.f32 v3, v1  }
0xb1: {  	v3 =	vld [tilespmem:s14+$0x7D40]  }
0xb2: {  	v1 =	vadd.f32 v2, v1  }
0xb3: {  	v5 =	vld [tilespmem:s14+$0x7D50]  }
.Ltmp4:
0xb4: {  	v1 =	vadd.f32 v4, v1;
	(pc) =	sbr.rel @p1 .LBB2_7-.Ltmp4, $4  }
0xb5: {  	v2 =	vld [tilespmem:s14+$0x7D60]  }
0xb6: {  	v3 =	vadd.f32 v3, v1  }
0xb7: {  	v1 =	vld [tilespmem:s14+$0x7D70]  }
0xb8: {  	s14 =	sshra.s32 s15, $0x2;
	s15 =	sadd.s32 $0x200, s15;
	v3 =	vadd.f32 v5, v3  }
0xb9: {  	v4 =	vld [tilespmem:s14+$0x7D00]  }
0xba: {  	v2 =	vadd.f32 v2, v3  }
0xbb: {  	v3 =	vld [tilespmem:s14+$0x7D10]  }
0xbc: {  	v1 =	vadd.f32 v1, v2  }
0xbd: {  	v2 =	vld [tilespmem:s14+$0x7D20]  }
0xbe: {  	v1 =	vadd.f32 v4, v1  }
0xbf: {  	v4 =	vld [tilespmem:s14+$0x7D30]  }
0xc0: {  	v1 =	vadd.f32 v3, v1  }
0xc1: {  	v3 =	vld [tilespmem:s14+$0x7D40]  }
0xc2: {  	v1 =	vadd.f32 v2, v1  }
0xc3: {  	v2 =	vld [tilespmem:s14+$0x7D50]  }
0xc4: {  	v1 =	vadd.f32 v4, v1  }
0xc5: {  	v4 =	vld [tilespmem:s14+$0x7D60]  }
0xc6: {  	v1 =	vadd.f32 v3, v1  }
0xc7: {  	v3 =	vld [tilespmem:s14+$0x7D70]  }
0xc8: {  	v1 =	vadd.f32 v2, v1;
	_ =	sdelay $0x1  }
0xc9: {  	v1 =	vadd.f32 v4, v1;
	_ =	sdelay $0x1  }
0xca: {  	v1 =	vadd.f32 v3, v1;
	_ =	sdelay $0x1  }
0xcb: {  	v1 =	vadd.f32 v1, v0;
	_ =	sdelay $0x1  }
0xcc: {  	s15 =	simm.s32 @!p0 $0xC8;
	s16 =	simm.s32 @!p0 $0x7D00;
	s14 =	sadd.s32 @!p0 $0x7D0, s13;
	[tilespmem:s12+$0xC820] =	vst v1  }
0xcd: {  	[tilespmem:s16], [sflag:$0x3] =	stream.indirect.gather @!p0 [hbm4b:s4+s15], $0x10, s14, s15, $0xb8;
	[tilespmem:$0xD010] =	vst v63  }
0xce: {  	_ =	swait.ge [sflag:s29], $0xC80  }
0xcf: {  	[sflag:s29] =	ssyncset.done $0x0  }
0xd0: {  	s16 =	simm.s32 $0x0;
	[sflag:s29] =	ssyncadd.s32 $0xFFFFF380  }
0xd1: {  	v1 =	vld [tilespmem:s16+$0x8980];
	_ =	sdelay $0x1  }
0xd2: {  	v2 =	vld [tilespmem:s16+$0x8990];
	_ =	sdelay $0x1  }
0xd3: {  	v3 =	vimm.f32 $0.0e+00;
	v4 =	vld [tilespmem:s16+$0x89A0]  }
0xd4: {  	v1 =	vadd.f32 v1, v3  }
0xd5: {  	v3 =	vld [tilespmem:s16+$0x89B0]  }
0xd6: {  	v1 =	vadd.f32 v2, v1  }
0xd7: {  	v2 =	vld [tilespmem:s16+$0x89C0]  }
0xd8: {  	v1 =	vadd.f32 v4, v1;
	_ =	sdelay $0x1  }
0xd9: {  	v4 =	vld [tilespmem:s16+$0x89D0];
	v1 =	vadd.f32 v3, v1;
	_ =	sdelay $0x1  }
0xda: {  	v3 =	vadd.f32 v2, v1;
	v2 =	vld [tilespmem:s16+$0x89E0];
	_ =	sdelay $0x1  }
0xdb: {  	v1 =	vld [tilespmem:s16+$0x89F0]  }
0xdc: {  	s14 =	simm.s32 $0x80;
	s15 =	simm.s32 $0x400;
	v3 =	vadd.f32 v4, v3  }
.LBB2_9:
0xdd: {  	p1 =	sne.s32 s15, $0x3000;
	v4 =	vld [tilespmem:s14+$0x8980]  }
0xde: {  	v2 =	vadd.f32 v2, v3  }
0xdf: {  	v3 =	vld [tilespmem:s14+$0x8990]  }
0xe0: {  	v1 =	vadd.f32 v1, v2  }
0xe1: {  	v2 =	vld [tilespmem:s14+$0x89A0]  }
0xe2: {  	v1 =	vadd.f32 v4, v1  }
0xe3: {  	v4 =	vld [tilespmem:s14+$0x89B0]  }
0xe4: {  	v1 =	vadd.f32 v3, v1  }
0xe5: {  	v3 =	vld [tilespmem:s14+$0x89C0]  }
0xe6: {  	v1 =	vadd.f32 v2, v1  }
0xe7: {  	v5 =	vld [tilespmem:s14+$0x89D0]  }
.Ltmp5:
0xe8: {  	v1 =	vadd.f32 v4, v1;
	(pc) =	sbr.rel @p1 .LBB2_9-.Ltmp5, $4  }
0xe9: {  	v2 =	vld [tilespmem:s14+$0x89E0]  }
0xea: {  	v3 =	vadd.f32 v3, v1  }
0xeb: {  	v1 =	vld [tilespmem:s14+$0x89F0]  }
0xec: {  	s14 =	sshra.s32 s15, $0x2;
	s15 =	sadd.s32 $0x200, s15;
	v3 =	vadd.f32 v5, v3  }
0xed: {  	v4 =	vld [tilespmem:s14+$0x8980]  }
0xee: {  	v2 =	vadd.f32 v2, v3  }
0xef: {  	v3 =	vld [tilespmem:s14+$0x8990]  }
0xf0: {  	v1 =	vadd.f32 v1, v2  }
0xf1: {  	v2 =	vld [tilespmem:s14+$0x89A0]  }
0xf2: {  	v1 =	vadd.f32 v4, v1  }
0xf3: {  	v4 =	vld [tilespmem:s14+$0x89B0]  }
0xf4: {  	v1 =	vadd.f32 v3, v1  }
0xf5: {  	v3 =	vld [tilespmem:s14+$0x89C0]  }
0xf6: {  	v1 =	vadd.f32 v2, v1  }
0xf7: {  	v2 =	vld [tilespmem:s14+$0x89D0]  }
0xf8: {  	v1 =	vadd.f32 v4, v1  }
0xf9: {  	v4 =	vld [tilespmem:s14+$0x89E0]  }
0xfa: {  	v1 =	vadd.f32 v3, v1  }
0xfb: {  	v3 =	vld [tilespmem:s14+$0x89F0]  }
0xfc: {  	v1 =	vadd.f32 v2, v1;
	_ =	sdelay $0x1  }
0xfd: {  	v1 =	vadd.f32 v4, v1;
	_ =	sdelay $0x1  }
0xfe: {  	v1 =	vadd.f32 v3, v1;
	_ =	sdelay $0x1  }
0xff: {  	v1 =	vadd.f32 v1, v0;
	_ =	sdelay $0x1  }
0x100: {  	s15 =	simm.s32 @!p0 $0xC8;
	s16 =	simm.s32 @!p0 $0x8980;
	s14 =	sadd.s32 @!p0 $0x898, s13;
	[tilespmem:s12+$0xC830] =	vst v1  }
0x101: {  	[tilespmem:s16], [sflag:$0x4] =	stream.indirect.gather @!p0 [hbm4b:s4+s15], $0x10, s14, s15, $0xb8;
	[tilespmem:$0xD010] =	vst v63  }
0x102: {  	_ =	swait.ge [sflag:s30], $0xC80  }
0x103: {  	[sflag:s30] =	ssyncset.done $0x0  }
0x104: {  	s16 =	simm.s32 $0x0;
	[sflag:s30] =	ssyncadd.s32 $0xFFFFF380  }
0x105: {  	v1 =	vld [tilespmem:s16+$0x9600];
	_ =	sdelay $0x1  }
0x106: {  	v2 =	vld [tilespmem:s16+$0x9610];
	_ =	sdelay $0x1  }
0x107: {  	v3 =	vimm.f32 $0.0e+00;
	v4 =	vld [tilespmem:s16+$0x9620]  }
0x108: {  	v1 =	vadd.f32 v1, v3  }
0x109: {  	v3 =	vld [tilespmem:s16+$0x9630]  }
0x10a: {  	v1 =	vadd.f32 v2, v1  }
0x10b: {  	v2 =	vld [tilespmem:s16+$0x9640]  }
0x10c: {  	v1 =	vadd.f32 v4, v1;
	_ =	sdelay $0x1  }
0x10d: {  	v4 =	vld [tilespmem:s16+$0x9650];
	v1 =	vadd.f32 v3, v1;
	_ =	sdelay $0x1  }
0x10e: {  	v3 =	vadd.f32 v2, v1;
	v2 =	vld [tilespmem:s16+$0x9660];
	_ =	sdelay $0x1  }
0x10f: {  	v1 =	vld [tilespmem:s16+$0x9670]  }
0x110: {  	s14 =	simm.s32 $0x80;
	s15 =	simm.s32 $0x400;
	v3 =	vadd.f32 v4, v3  }
.LBB2_11:
0x111: {  	p1 =	sne.s32 s15, $0x3000;
	v4 =	vld [tilespmem:s14+$0x9600]  }
0x112: {  	v2 =	vadd.f32 v2, v3  }
0x113: {  	v3 =	vld [tilespmem:s14+$0x9610]  }
0x114: {  	v1 =	vadd.f32 v1, v2  }
0x115: {  	v2 =	vld [tilespmem:s14+$0x9620]  }
0x116: {  	v1 =	vadd.f32 v4, v1  }
0x117: {  	v4 =	vld [tilespmem:s14+$0x9630]  }
0x118: {  	v1 =	vadd.f32 v3, v1  }
0x119: {  	v3 =	vld [tilespmem:s14+$0x9640]  }
0x11a: {  	v1 =	vadd.f32 v2, v1  }
0x11b: {  	v5 =	vld [tilespmem:s14+$0x9650]  }
.Ltmp6:
0x11c: {  	v1 =	vadd.f32 v4, v1;
	(pc) =	sbr.rel @p1 .LBB2_11-.Ltmp6, $4  }
0x11d: {  	v2 =	vld [tilespmem:s14+$0x9660]  }
0x11e: {  	v3 =	vadd.f32 v3, v1  }
0x11f: {  	v1 =	vld [tilespmem:s14+$0x9670]  }
0x120: {  	s14 =	sshra.s32 s15, $0x2;
	s15 =	sadd.s32 $0x200, s15;
	v3 =	vadd.f32 v5, v3  }
0x121: {  	v4 =	vld [tilespmem:s14+$0x9600]  }
0x122: {  	v2 =	vadd.f32 v2, v3  }
0x123: {  	v3 =	vld [tilespmem:s14+$0x9610]  }
0x124: {  	v1 =	vadd.f32 v1, v2  }
0x125: {  	v2 =	vld [tilespmem:s14+$0x9620]  }
0x126: {  	v1 =	vadd.f32 v4, v1  }
0x127: {  	v4 =	vld [tilespmem:s14+$0x9630]  }
0x128: {  	v1 =	vadd.f32 v3, v1  }
0x129: {  	v3 =	vld [tilespmem:s14+$0x9640]  }
0x12a: {  	v1 =	vadd.f32 v2, v1  }
0x12b: {  	v2 =	vld [tilespmem:s14+$0x9650]  }
0x12c: {  	v1 =	vadd.f32 v4, v1  }
0x12d: {  	v4 =	vld [tilespmem:s14+$0x9660]  }
0x12e: {  	v1 =	vadd.f32 v3, v1  }
0x12f: {  	v3 =	vld [tilespmem:s14+$0x9670]  }
0x130: {  	v1 =	vadd.f32 v2, v1;
	_ =	sdelay $0x1  }
0x131: {  	v1 =	vadd.f32 v4, v1;
	_ =	sdelay $0x1  }
0x132: {  	v1 =	vadd.f32 v3, v1;
	_ =	sdelay $0x1  }
0x133: {  	v1 =	vadd.f32 v1, v0;
	_ =	sdelay $0x1  }
0x134: {  	s15 =	simm.s32 @!p0 $0xC8;
	s16 =	simm.s32 @!p0 $0x9600;
	s14 =	sadd.s32 @!p0 $0x960, s13;
	[tilespmem:s12+$0xC840] =	vst v1  }
0x135: {  	[tilespmem:s16], [sflag:$0x5] =	stream.indirect.gather @!p0 [hbm4b:s4+s15], $0x10, s14, s15, $0xb8;
	[tilespmem:$0xD010] =	vst v63  }
0x136: {  	_ =	swait.ge [sflag:s31], $0xC80  }
0x137: {  	[sflag:s31] =	ssyncset.done $0x0  }
0x138: {  	s16 =	simm.s32 $0x0;
	[sflag:s31] =	ssyncadd.s32 $0xFFFFF380  }
0x139: {  	v1 =	vld [tilespmem:s16+$0xA280];
	_ =	sdelay $0x1  }
0x13a: {  	v2 =	vld [tilespmem:s16+$0xA290];
	_ =	sdelay $0x1  }
0x13b: {  	v3 =	vimm.f32 $0.0e+00;
	v4 =	vld [tilespmem:s16+$0xA2A0]  }
0x13c: {  	v1 =	vadd.f32 v1, v3  }
0x13d: {  	v3 =	vld [tilespmem:s16+$0xA2B0]  }
0x13e: {  	v1 =	vadd.f32 v2, v1  }
0x13f: {  	v2 =	vld [tilespmem:s16+$0xA2C0]  }
0x140: {  	v1 =	vadd.f32 v4, v1;
	_ =	sdelay $0x1  }
0x141: {  	v4 =	vld [tilespmem:s16+$0xA2D0];
	v1 =	vadd.f32 v3, v1;
	_ =	sdelay $0x1  }
0x142: {  	v3 =	vadd.f32 v2, v1;
	v2 =	vld [tilespmem:s16+$0xA2E0];
	_ =	sdelay $0x1  }
0x143: {  	v1 =	vld [tilespmem:s16+$0xA2F0]  }
0x144: {  	s14 =	simm.s32 $0x80;
	s15 =	simm.s32 $0x400;
	v3 =	vadd.f32 v4, v3  }
.LBB2_13:
0x145: {  	p1 =	sne.s32 s15, $0x3000;
	v4 =	vld [tilespmem:s14+$0xA280]  }
0x146: {  	v2 =	vadd.f32 v2, v3  }
0x147: {  	v3 =	vld [tilespmem:s14+$0xA290]  }
0x148: {  	v1 =	vadd.f32 v1, v2  }
0x149: {  	v2 =	vld [tilespmem:s14+$0xA2A0]  }
0x14a: {  	v1 =	vadd.f32 v4, v1  }
0x14b: {  	v4 =	vld [tilespmem:s14+$0xA2B0]  }
0x14c: {  	v1 =	vadd.f32 v3, v1  }
0x14d: {  	v3 =	vld [tilespmem:s14+$0xA2C0]  }
0x14e: {  	v1 =	vadd.f32 v2, v1  }
0x14f: {  	v5 =	vld [tilespmem:s14+$0xA2D0]  }
.Ltmp7:
0x150: {  	v1 =	vadd.f32 v4, v1;
	(pc) =	sbr.rel @p1 .LBB2_13-.Ltmp7, $4  }
0x151: {  	v2 =	vld [tilespmem:s14+$0xA2E0]  }
0x152: {  	v3 =	vadd.f32 v3, v1  }
0x153: {  	v1 =	vld [tilespmem:s14+$0xA2F0]  }
0x154: {  	s14 =	sshra.s32 s15, $0x2;
	s15 =	sadd.s32 $0x200, s15;
	v3 =	vadd.f32 v5, v3  }
0x155: {  	v4 =	vld [tilespmem:s14+$0xA280]  }
0x156: {  	v2 =	vadd.f32 v2, v3  }
0x157: {  	v3 =	vld [tilespmem:s14+$0xA290]  }
0x158: {  	v1 =	vadd.f32 v1, v2  }
0x159: {  	v2 =	vld [tilespmem:s14+$0xA2A0]  }
0x15a: {  	v1 =	vadd.f32 v4, v1  }
0x15b: {  	v4 =	vld [tilespmem:s14+$0xA2B0]  }
0x15c: {  	v1 =	vadd.f32 v3, v1  }
0x15d: {  	v3 =	vld [tilespmem:s14+$0xA2C0]  }
0x15e: {  	v1 =	vadd.f32 v2, v1  }
0x15f: {  	v2 =	vld [tilespmem:s14+$0xA2D0]  }
0x160: {  	v1 =	vadd.f32 v4, v1  }
0x161: {  	v4 =	vld [tilespmem:s14+$0xA2E0]  }
0x162: {  	v1 =	vadd.f32 v3, v1  }
0x163: {  	v3 =	vld [tilespmem:s14+$0xA2F0]  }
0x164: {  	v1 =	vadd.f32 v2, v1;
	_ =	sdelay $0x1  }
0x165: {  	v1 =	vadd.f32 v4, v1;
	_ =	sdelay $0x1  }
0x166: {  	v1 =	vadd.f32 v3, v1;
	_ =	sdelay $0x1  }
0x167: {  	v1 =	vadd.f32 v1, v0;
	_ =	sdelay $0x1  }
0x168: {  	s15 =	simm.s32 @!p0 $0xC8;
	s16 =	simm.s32 @!p0 $0xA280;
	s14 =	sadd.s32 @!p0 $0xA28, s13;
	[tilespmem:s12+$0xC850] =	vst v1  }
0x169: {  	[tilespmem:s16], [sflag:$0x6] =	stream.indirect.gather @!p0 [hbm4b:s4+s15], $0x10, s14, s15, $0xb8;
	[tilespmem:$0xD010] =	vst v63  }
0x16a: {  	_ =	swait.ge [sflag:s1], $0xC80  }
0x16b: {  	[sflag:s1] =	ssyncset.done $0x0  }
0x16c: {  	s16 =	simm.s32 $0x0;
	[sflag:s1] =	ssyncadd.s32 $0xFFFFF380  }
0x16d: {  	v1 =	vld [tilespmem:s16+$0xAF00];
	_ =	sdelay $0x1  }
0x16e: {  	v2 =	vld [tilespmem:s16+$0xAF10];
	_ =	sdelay $0x1  }
0x16f: {  	v3 =	vimm.f32 $0.0e+00;
	v4 =	vld [tilespmem:s16+$0xAF20]  }
0x170: {  	v1 =	vadd.f32 v1, v3  }
0x171: {  	v3 =	vld [tilespmem:s16+$0xAF30]  }
0x172: {  	v1 =	vadd.f32 v2, v1  }
0x173: {  	v2 =	vld [tilespmem:s16+$0xAF40]  }
0x174: {  	v1 =	vadd.f32 v4, v1;
	_ =	sdelay $0x1  }
0x175: {  	v4 =	vld [tilespmem:s16+$0xAF50];
	v1 =	vadd.f32 v3, v1;
	_ =	sdelay $0x1  }
0x176: {  	v3 =	vadd.f32 v2, v1;
	v2 =	vld [tilespmem:s16+$0xAF60];
	_ =	sdelay $0x1  }
0x177: {  	v1 =	vld [tilespmem:s16+$0xAF70]  }
0x178: {  	s14 =	simm.s32 $0x80;
	s15 =	simm.s32 $0x400;
	v3 =	vadd.f32 v4, v3  }
.LBB2_15:
0x179: {  	p1 =	sne.s32 s15, $0x3000;
	v4 =	vld [tilespmem:s14+$0xAF00]  }
0x17a: {  	v2 =	vadd.f32 v2, v3  }
0x17b: {  	v3 =	vld [tilespmem:s14+$0xAF10]  }
0x17c: {  	v1 =	vadd.f32 v1, v2  }
0x17d: {  	v2 =	vld [tilespmem:s14+$0xAF20]  }
0x17e: {  	v1 =	vadd.f32 v4, v1  }
0x17f: {  	v4 =	vld [tilespmem:s14+$0xAF30]  }
0x180: {  	v1 =	vadd.f32 v3, v1  }
0x181: {  	v3 =	vld [tilespmem:s14+$0xAF40]  }
0x182: {  	v1 =	vadd.f32 v2, v1  }
0x183: {  	v5 =	vld [tilespmem:s14+$0xAF50]  }
.Ltmp8:
0x184: {  	v1 =	vadd.f32 v4, v1;
	(pc) =	sbr.rel @p1 .LBB2_15-.Ltmp8, $4  }
0x185: {  	v2 =	vld [tilespmem:s14+$0xAF60]  }
0x186: {  	v3 =	vadd.f32 v3, v1  }
0x187: {  	v1 =	vld [tilespmem:s14+$0xAF70]  }
0x188: {  	s14 =	sshra.s32 s15, $0x2;
	s15 =	sadd.s32 $0x200, s15;
	v3 =	vadd.f32 v5, v3  }
0x189: {  	v4 =	vld [tilespmem:s14+$0xAF00]  }
0x18a: {  	v2 =	vadd.f32 v2, v3  }
0x18b: {  	v3 =	vld [tilespmem:s14+$0xAF10]  }
0x18c: {  	v1 =	vadd.f32 v1, v2  }
0x18d: {  	v2 =	vld [tilespmem:s14+$0xAF20]  }
0x18e: {  	v1 =	vadd.f32 v4, v1  }
0x18f: {  	v4 =	vld [tilespmem:s14+$0xAF30]  }
0x190: {  	v1 =	vadd.f32 v3, v1  }
0x191: {  	v3 =	vld [tilespmem:s14+$0xAF40]  }
0x192: {  	v1 =	vadd.f32 v2, v1  }
0x193: {  	v2 =	vld [tilespmem:s14+$0xAF50]  }
0x194: {  	v1 =	vadd.f32 v4, v1  }
0x195: {  	v4 =	vld [tilespmem:s14+$0xAF60]  }
0x196: {  	v1 =	vadd.f32 v3, v1  }
0x197: {  	v3 =	vld [tilespmem:s14+$0xAF70]  }
0x198: {  	v1 =	vadd.f32 v2, v1;
	_ =	sdelay $0x1  }
0x199: {  	v1 =	vadd.f32 v4, v1;
	_ =	sdelay $0x1  }
0x19a: {  	v1 =	vadd.f32 v3, v1;
	_ =	sdelay $0x1  }
0x19b: {  	v1 =	vadd.f32 v1, v0;
	_ =	sdelay $0x1  }
0x19c: {  	s13 =	sadd.s32 @!p0 $0xAF0, s13;
	s15 =	simm.s32 @!p0 $0xAF00;
	s14 =	simm.s32 @!p0 $0xC8;
	[tilespmem:s12+$0xC860] =	vst v1  }
0x19d: {  	[tilespmem:s15], [sflag:$0x7] =	stream.indirect.gather @!p0 [hbm4b:s4+s14], $0x10, s13, s14, $0xb8;
	[tilespmem:$0xD010] =	vst v63  }
0x19e: {  	_ =	swait.ge [sflag:s0], $0xC80  }
0x19f: {  	[sflag:s0] =	ssyncset.done $0x0  }
0x1a0: {  	s16 =	simm.s32 $0x0;
	[sflag:s0] =	ssyncadd.s32 $0xFFFFF380  }
0x1a1: {  	v1 =	vld [tilespmem:s16+$0xBB80];
	_ =	sdelay $0x1  }
0x1a2: {  	v2 =	vld [tilespmem:s16+$0xBB90];
	_ =	sdelay $0x1  }
0x1a3: {  	v3 =	vimm.f32 $0.0e+00;
	v4 =	vld [tilespmem:s16+$0xBBA0]  }
0x1a4: {  	v1 =	vadd.f32 v1, v3  }
0x1a5: {  	v3 =	vld [tilespmem:s16+$0xBBB0]  }
0x1a6: {  	v1 =	vadd.f32 v2, v1  }
0x1a7: {  	v2 =	vld [tilespmem:s16+$0xBBC0]  }
0x1a8: {  	v1 =	vadd.f32 v4, v1;
	_ =	sdelay $0x1  }
0x1a9: {  	v4 =	vld [tilespmem:s16+$0xBBD0];
	v1 =	vadd.f32 v3, v1;
	_ =	sdelay $0x1  }
0x1aa: {  	v3 =	vadd.f32 v2, v1;
	v2 =	vld [tilespmem:s16+$0xBBE0];
	_ =	sdelay $0x1  }
0x1ab: {  	v1 =	vld [tilespmem:s16+$0xBBF0]  }
0x1ac: {  	s13 =	simm.s32 $0x80;
	s14 =	simm.s32 $0x400;
	v3 =	vadd.f32 v4, v3  }
.LBB2_17:
0x1ad: {  	p1 =	sne.s32 s14, $0x3000;
	v4 =	vld [tilespmem:s13+$0xBB80]  }
0x1ae: {  	v2 =	vadd.f32 v2, v3  }
0x1af: {  	v3 =	vld [tilespmem:s13+$0xBB90]  }
0x1b0: {  	v1 =	vadd.f32 v1, v2  }
0x1b1: {  	v2 =	vld [tilespmem:s13+$0xBBA0]  }
0x1b2: {  	v1 =	vadd.f32 v4, v1  }
0x1b3: {  	v4 =	vld [tilespmem:s13+$0xBBB0]  }
0x1b4: {  	v1 =	vadd.f32 v3, v1  }
0x1b5: {  	v3 =	vld [tilespmem:s13+$0xBBC0]  }
0x1b6: {  	v1 =	vadd.f32 v2, v1  }
0x1b7: {  	v5 =	vld [tilespmem:s13+$0xBBD0]  }
.Ltmp9:
0x1b8: {  	v1 =	vadd.f32 v4, v1;
	(pc) =	sbr.rel @p1 .LBB2_17-.Ltmp9, $4  }
0x1b9: {  	v2 =	vld [tilespmem:s13+$0xBBE0]  }
0x1ba: {  	v3 =	vadd.f32 v3, v1  }
0x1bb: {  	v1 =	vld [tilespmem:s13+$0xBBF0]  }
0x1bc: {  	s13 =	sshra.s32 s14, $0x2;
	s14 =	sadd.s32 $0x200, s14;
	v3 =	vadd.f32 v5, v3  }
0x1bd: {  	v4 =	vld [tilespmem:s13+$0xBB80]  }
0x1be: {  	v2 =	vadd.f32 v2, v3  }
0x1bf: {  	v3 =	vld [tilespmem:s13+$0xBB90]  }
0x1c0: {  	v1 =	vadd.f32 v1, v2  }
0x1c1: {  	v2 =	vld [tilespmem:s13+$0xBBA0]  }
0x1c2: {  	v1 =	vadd.f32 v4, v1  }
0x1c3: {  	v62 =	vld [tilespmem:s13+$0xBBB0]  }
0x1c4: {  	v1 =	vadd.f32 v3, v1  }
0x1c5: {  	v3 =	vld [tilespmem:s13+$0xBBC0]  }
0x1c6: {  	v1 =	vadd.f32 v2, v1  }
0x1c7: {  	v2 =	vld [tilespmem:s13+$0xBBD0]  }
0x1c8: {  	v1 =	vadd.f32 v62, v1  }
0x1c9: {  	v63 =	vld [tilespmem:s13+$0xBBE0]  }
0x1ca: {  	v1 =	vadd.f32 v3, v1  }
0x1cb: {  	v3 =	vld [tilespmem:s13+$0xBBF0]  }
0x1cc: {  	v1 =	vadd.f32 v2, v1;
	_ =	sdelay $0x1  }
0x1cd: {  	v1 =	vadd.f32 v63, v1;
	_ =	sdelay $0x1  }
.Ltmp10:
0x1ce: {  	v1 =	vadd.f32 v3, v1;
	(pc) =	sbr.rel @p0 .LBB2_20-.Ltmp10, $3  }
0x1cf: {  	_ = 	snop  }
0x1d0: {  	v1 =	vadd.f32 v1, v0;
	_ =	sdelay $0x1  }
0x1d1: {  	[tilespmem:s12+$0xC870] =	vst v1  }
0x1d2: {  	s12 =	smul.u32 $0x1900, s11  }
.Ltmp11:
0x1d3: {  	_ = 	snop;
	(pc) =	sbr.rel .LBB2_2-.Ltmp11, $4  }
0x1d4: {  	_ = 	snop  }
0x1d5: {  	s12 =	sshra.s32 s12, $0x2  }
0x1d6: {  	s11 =	sadd.s32 $0x1, s11;
	s12 =	sadd.s32 $0xBB8, s12  }
0x1d7: {  	[tilespmem:s24], [sflag:$0x8] =	stream.indirect.gather [hbm4b:s4+s10], $0x10, s12, s10, $0xb8;
	[tilespmem:$0xD010] =	vst v63  }
.LBB2_21:
0x1d8: {  	_ =	sfence.sel $0x180000  }
0x1d9: {  	[bflag:$0x0] =	sbarrier.arrive $0xFFFF  }
0x1da: {  	_ =	strace $0x90000047  }
0x1db: {  	s0 =	stileid.u32;
	[bflag:$0x2] =	sbarrier.arrive $0xFFFF  }
0x1dc: {  	p0 =	sne.s32 s0, $0x0;
	s0 =	rddreg [dreg:$0x2]  }
0x1dd: {  	s0 =	sadd.s32 @!p0 $0x100000, s0  }
0x1de: {  	[sflag:s0] =	ssyncadd.tile.s32 @!p0 $0x1;
	_ =	shalt  }
.Lfunc_end2:
_tile_overlayer_lowered:
.L_overlay_start_2:
0x1df: {  	(tag) =	ssettag $0x2  }
0x1e0: {  	s0 =	rddreg [dreg:$0x0];
	s2 =	stileid.u32  }
0x1e1: {  	s1 =	rddreg [dreg:$0x1];
	p0 =	sne.s32 s2, $0x0  }
0x1e2: {  	s3 =	rddreg [dreg:$0x2];
	[bflag:$0x3] =	sbarrier.arrive $0xFFFF;
	s2 =	simm.s32 @!p0 $0x1C09  }
0x1e3: {  	[timem:s3], [sflag:s2] =	dma.local @!p0 [hbm:s0], s1  }
0x1e4: {  	s0 =	simm.s32 @!p0 $0x9  }
0x1e5: {  	_ =	swait.ge @!p0 [sflag:s0], s1  }
0x1e6: {  	s1 =	ssub.s32 @!p0 $0x0, s1;
	[sflag:s0] =	ssyncset.done @!p0 $0x0  }
0x1e7: {  	[sflag:s0] =	ssyncadd.s32 @!p0 s1  }
0x1e8: {  	[bflag:$0x3] =	sbarrier.arrive $0xFFFF  }
0x1e9: {  	_ =	shalt  }

</sc_bundles>
